<compile_context>
chip_gen: v7x
topology: tpu7x:2x2x1
jax: 0.10.2.dev20260603
libtpu: 0.0.44.dev20260713+nightly
codegen_flags: <defaults>
</compile_context>

<pallas_src>
import functools

import jax
import jax.numpy as jnp
from jax import lax
from jax.experimental import pallas as pl
from jax.experimental.pallas import tpu as pltpu
from jax.experimental.pallas import tpu_sc as plsc

B = 4096
L = 200
D = 64
NC = 2
NS = 16
NW = NC * NS
RPW = B // NW
LP = 208
SPLIT = 128


@functools.partial(
    pl.kernel,
    out_type=jax.ShapeDtypeStruct((B, D), jnp.float32),
    mesh=plsc.VectorSubcoreMesh(core_axis_name="c", subcore_axis_name="s"),
    compiler_params=pltpu.CompilerParams(
        use_tc_tiling_on_sc=False, needs_layout_passes=False),
    scratch_types=[
        pltpu.VMEM((RPW, LP), jnp.int32),
        pltpu.VMEM((L, D), jnp.float32),
        pltpu.VMEM((L, D), jnp.float32),
        pltpu.VMEM((RPW, D), jnp.float32),
        pltpu.SemaphoreType.DMA,
        pltpu.SemaphoreType.DMA,
    ],
)
def _avg_embed(code_h, table_h, out_h, idx_v, buf0, buf1, out_v, sem0, sem1):
    wid = lax.axis_index("s") * NC + lax.axis_index("c")
    base = wid * RPW

    pltpu.sync_copy(code_h.at[pl.ds(base, RPW)], idx_v.at[:, pl.ds(0, L)])

    bufs = (buf0, buf1)
    sems = (sem0, sem1)

    def start(r, b):
        pltpu.async_copy(
            table_h.at[idx_v.at[r, pl.ds(0, SPLIT)]],
            bufs[b].at[pl.ds(0, SPLIT)],
            sems[b],
        )
        pltpu.async_copy(
            table_h.at[idx_v.at[r, pl.ds(SPLIT, L - SPLIT)]],
            bufs[b].at[pl.ds(SPLIT, L - SPLIT)],
            sems[b],
        )

    def wait(b):
        pltpu.make_async_copy(table_h.at[pl.ds(0, L)], bufs[b], sems[b]).wait()

    lane = lax.iota(jnp.int32, 16)

    def reduce_row(buf, r):
        def cbody(k, cv):
            v = idx_v[r, pl.ds(k * 16, 16)]
            return cv + jnp.where(v != 0, 1.0, 0.0).astype(jnp.float32)

        cv = lax.fori_loop(0, 12, cbody, jnp.zeros((16,), jnp.float32),
                           unroll=4)
        vtail = idx_v[r, pl.ds(192, 16)]
        cv = cv + jnp.where((vtail != 0) & (lane < 8), 1.0, 0.0).astype(
            jnp.float32)
        cnt = jnp.broadcast_to(jnp.sum(cv), (16,))

        def sbody(l, accs):
            a0, a1, a2, a3 = accs
            return (
                a0 + buf[l, pl.ds(0, 16)],
                a1 + buf[l, pl.ds(16, 16)],
                a2 + buf[l, pl.ds(32, 16)],
                a3 + buf[l, pl.ds(48, 16)],
            )

        z = jnp.zeros((16,), jnp.float32)
        a0, a1, a2, a3 = lax.fori_loop(0, L, sbody, (z, z, z, z), unroll=8)
        out_v[r, pl.ds(0, 16)] = a0 / cnt
        out_v[r, pl.ds(16, 16)] = a1 / cnt
        out_v[r, pl.ds(32, 16)] = a2 / cnt
        out_v[r, pl.ds(48, 16)] = a3 / cnt

    start(0, 0)

    def gbody(g, carry):
        r0 = 2 * g
        start(r0 + 1, 1)
        wait(0)
        reduce_row(buf0, r0)

        @pl.when(g < RPW // 2 - 1)
        def _():
            start(r0 + 2, 0)

        wait(1)
        reduce_row(buf1, r0 + 1)
        return carry

    lax.fori_loop(0, RPW // 2, gbody, 0)

    pltpu.sync_copy(out_v, out_h.at[pl.ds(base, RPW)])


def kernel(code, code_table):
    return _avg_embed(code.astype(jnp.int32), code_table)

# --- scband reference (transcript-rebuilt; emitter-appended) ---
"""Pipeline reference for scband-unsupervised-model-2997887172925 (READ-ONLY COPY).

The authoritative reference and input builder live on the scoring server;
editing this copy changes nothing except your own understanding.
"""

import jax, jax.numpy as jnp
import numpy as np

PAD_TOKEN_ID = 0
NUM_PREDEFINED_VOCAB_TERMS = 4
CODE_VOCAB_SIZE = 100000
EMB_SIZE = 64
BATCH = 4096
HIST_LEN = 200


def setup_inputs(seed: int = 0) -> dict:
    key = jax.random.key(seed)
    k1, k2 = jax.random.split(key)
    total_vocab = CODE_VOCAB_SIZE + NUM_PREDEFINED_VOCAB_TERMS
    code = jax.random.randint(k1, (BATCH, HIST_LEN), 0, total_vocab)
    code_table = jax.random.normal(k2, (total_vocab, EMB_SIZE), dtype=jnp.float32)
    # padding_idx row is zero, matching nn.Embedding(padding_idx=PAD_TOKEN_ID)
    code_table = code_table.at[PAD_TOKEN_ID].set(0.0)
    return {"code": code, "code_table": code_table}


def reference(code, code_table):
    # embs = self.code_embeddings(code)
    emb = jnp.take(code_table, code, axis=0)  # [B, L, D]
    # avg_ignore_padding(embs, code)
    is_not_pad = (code != PAD_TOKEN_ID).astype(jnp.float32)  # [B, L]
    denom = jnp.sum(is_not_pad, axis=1, keepdims=True)  # [B, 1]
    num = jnp.sum(emb * is_not_pad[:, :, None], axis=1)  # [B, D]
    avg_emb = num / denom
    return avg_emb

if __name__ == "__main__":
    import jax
    _d = setup_inputs()
    print(jax.jit(kernel)(*tuple(_d.values())))

</pallas_src>

<mosaic_0001>
#map = affine_map<(d0, d1) -> (0, 0)>
module attributes {stable_mosaic.version = 14 : i64} {
  func.func @_avg_embed(%arg0: i32, %arg1: i32, %arg2: memref<4096x200xi32, #tpu.memory_space<hbm>>, %arg3: memref<100004x64xf32, #tpu.memory_space<hbm>>, %arg4: memref<4096x64xf32, #tpu.memory_space<hbm>>, %arg5: memref<128x208xi32, #tpu.memory_space<vmem>>, %arg6: memref<200x64xf32, #tpu.memory_space<vmem>>, %arg7: memref<200x64xf32, #tpu.memory_space<vmem>>, %arg8: memref<128x64xf32, #tpu.memory_space<vmem>>, %arg9: memref<!tpu.dma_semaphore, #tpu.memory_space<semaphore_mem>>, %arg10: memref<!tpu.dma_semaphore, #tpu.memory_space<semaphore_mem>>) attributes {dimension_semantics = [#tpu.dimension_semantics<core_parallel>, #tpu.dimension_semantics<subcore_parallel>], iteration_bounds = array<i64: 2, 16>, scalar_prefetch = 0 : i64, scratch_operands = 6 : i64, tpu.core_type = #tpu.core_type<sc_vector_subcore>, window_params = [{transform_indices = #map}, {transform_indices = #map}, {transform_indices = #map}]} {
    %mul3A = arith.constant 2 : i32
    %mul3A_0 = arith.muli %arg1, %mul3A : i32
    %add3A = arith.addi %mul3A_0, %arg0 : i32
    %mul3A_1 = arith.constant 128 : i32
    %mul3A_2 = arith.muli %add3A, %mul3A_1 : i32
    "tpu.region"() ({
      %run_scoped3A = tpu.sem_alloc : memref<!tpu.dma_semaphore, #tpu.memory_space<semaphore_mem>>
      %dma_start3A_27 = arith.constant 0 : i32
      %dma_start3A_28 = arith.constant 0 : i32
      %dma_start3A_29 = tpu.memref_slice %arg5[%dma_start3A_27, %dma_start3A_28] : memref<128x208xi32, #tpu.memory_space<vmem>> -> memref<128x200xi32, #tpu.memory_space<vmem>>
      %dma_start3A_30 = arith.constant 0 : i32
      %dma_start3A_31 = tpu.memref_slice %arg2[%mul3A_2, %dma_start3A_30] : memref<4096x200xi32, #tpu.memory_space<hbm>> -> memref<128x200xi32, #tpu.memory_space<hbm>>
      %dma_start3A_32 = arith.constant 0 : i32
      %dma_start3A_33 = arith.constant 0 : i32
      %dma_start3A_34 = tpu.memref_slice %arg5[%dma_start3A_32, %dma_start3A_33] : memref<128x208xi32, #tpu.memory_space<vmem>> -> memref<128x200xi32, #tpu.memory_space<vmem>>
      %dma_start3A_35 = arith.constant 0 : i32
      %dma_start3A_36 = tpu.memref_slice %arg2[%mul3A_2, %dma_start3A_35] : memref<4096x200xi32, #tpu.memory_space<hbm>> -> memref<128x200xi32, #tpu.memory_space<hbm>>
      tpu.enqueue_dma source(%dma_start3A_36 : memref<128x200xi32, #tpu.memory_space<hbm>>) target(%dma_start3A_34 : memref<128x200xi32, #tpu.memory_space<vmem>>) target_semaphore(%run_scoped3A : memref<!tpu.dma_semaphore, #tpu.memory_space<semaphore_mem>>)
      %dma_wait3A = arith.constant 0 : i32
      %dma_wait3A_37 = arith.constant 0 : i32
      %dma_wait3A_38 = tpu.memref_slice %arg5[%dma_wait3A, %dma_wait3A_37] : memref<128x208xi32, #tpu.memory_space<vmem>> -> memref<128x200xi32, #tpu.memory_space<vmem>>
      %dma_wait3A_39 = arith.constant 0 : i32
      %dma_wait3A_40 = tpu.memref_slice %arg2[%mul3A_2, %dma_wait3A_39] : memref<4096x200xi32, #tpu.memory_space<hbm>> -> memref<128x200xi32, #tpu.memory_space<hbm>>
      %dma_wait3A_41 = arith.constant 0 : i32
      %dma_wait3A_42 = arith.constant 0 : i32
      %dma_wait3A_43 = tpu.memref_slice %arg5[%dma_wait3A_41, %dma_wait3A_42] : memref<128x208xi32, #tpu.memory_space<vmem>> -> memref<128x200xi32, #tpu.memory_space<vmem>>
      %dma_wait3A_44 = arith.constant 0 : i32
      %dma_wait3A_45 = tpu.memref_slice %arg2[%mul3A_2, %dma_wait3A_44] : memref<4096x200xi32, #tpu.memory_space<hbm>> -> memref<128x200xi32, #tpu.memory_space<hbm>>
      tpu.wait_dma2 semaphore(%run_scoped3A : memref<!tpu.dma_semaphore, #tpu.memory_space<semaphore_mem>>) src(%dma_wait3A_45 : memref<128x200xi32, #tpu.memory_space<hbm>>) dst(%dma_wait3A_43 : memref<128x200xi32, #tpu.memory_space<vmem>>)
      tpu.yield
    }) : () -> ()
    %iota3A = tpu.iota {dimensions = array<i32: 0>} : vector<16xi32>
    %dma_start3A = arith.constant 0 : i32
    %dma_start3A_3 = arith.constant 0 : i32
    %dma_start3A_4 = arith.constant 0 : i32
    %dma_start3A_5 = tpu.memref_slice %arg6[%dma_start3A_3, %dma_start3A_4] : memref<200x64xf32, #tpu.memory_space<vmem>> -> memref<128x64xf32, #tpu.memory_space<vmem>>
    %dma_start3A_6 = arith.constant 0 : i32
    %dma_start3A_7 = tpu.memref_slice %arg5[%dma_start3A, %dma_start3A_6] : memref<128x208xi32, #tpu.memory_space<vmem>> -> memref<1x128xi32, #tpu.memory_space<vmem>>
    %dma_start3A_8 = tpu.memref_squeeze %dma_start3A_7 : memref<1x128xi32, #tpu.memory_space<vmem>> -> memref<128xi32, #tpu.memory_space<vmem>>
    %dma_start3A_9 = arith.constant 0 : i32
    %dma_start3A_10 = arith.constant 0 : i32
    %dma_start3A_11 = tpu.memref_slice %arg3[%dma_start3A_9, %dma_start3A_10] : memref<100004x64xf32, #tpu.memory_space<hbm>> -> memref<100004x64xf32, #tpu.memory_space<hbm>>
    tpu.enqueue_indirect_dma source(%dma_start3A_11 : memref<100004x64xf32, #tpu.memory_space<hbm>>) target(%dma_start3A_5 : memref<128x64xf32, #tpu.memory_space<vmem>>) offsets(%dma_start3A_8 : memref<128xi32, #tpu.memory_space<vmem>>) semaphore(%arg9 : memref<!tpu.dma_semaphore, #tpu.memory_space<semaphore_mem>>)
    %dma_start3A_12 = arith.constant 0 : i32
    %dma_start3A_13 = arith.constant 128 : i32
    %dma_start3A_14 = arith.constant 0 : i32
    %dma_start3A_15 = tpu.memref_slice %arg6[%dma_start3A_13, %dma_start3A_14] : memref<200x64xf32, #tpu.memory_space<vmem>> -> memref<72x64xf32, #tpu.memory_space<vmem>>
    %dma_start3A_16 = arith.constant 128 : i32
    %dma_start3A_17 = tpu.memref_slice %arg5[%dma_start3A_12, %dma_start3A_16] : memref<128x208xi32, #tpu.memory_space<vmem>> -> memref<1x72xi32, #tpu.memory_space<vmem>>
    %dma_start3A_18 = tpu.memref_squeeze %dma_start3A_17 : memref<1x72xi32, #tpu.memory_space<vmem>> -> memref<72xi32, #tpu.memory_space<vmem>>
    %dma_start3A_19 = arith.constant 0 : i32
    %dma_start3A_20 = arith.constant 0 : i32
    %dma_start3A_21 = tpu.memref_slice %arg3[%dma_start3A_19, %dma_start3A_20] : memref<100004x64xf32, #tpu.memory_space<hbm>> -> memref<100004x64xf32, #tpu.memory_space<hbm>>
    tpu.enqueue_indirect_dma source(%dma_start3A_21 : memref<100004x64xf32, #tpu.memory_space<hbm>>) target(%dma_start3A_15 : memref<72x64xf32, #tpu.memory_space<vmem>>) offsets(%dma_start3A_18 : memref<72xi32, #tpu.memory_space<vmem>>) semaphore(%arg9 : memref<!tpu.dma_semaphore, #tpu.memory_space<semaphore_mem>>)
    %scan3A = arith.constant 0 : i32
    %scan3A_22 = arith.constant 0 : i32
    %scan3A_23 = arith.constant 64 : i32
    %scan3A_24 = arith.addi %scan3A_22, %scan3A_23 : i32
    %scan3A_25 = arith.constant 1 : i32
    scf.for %scan3A_27 = %scan3A_22 to %scan3A_24 step %scan3A_25  : i32 {
      %mul3A_28 = arith.constant 2 : i32
      %mul3A_29 = arith.muli %mul3A_28, %scan3A_27 : i32
      %add3A_30 = arith.constant 1 : i32
      %add3A_31 = arith.addi %mul3A_29, %add3A_30 : i32
      %dma_start3A_32 = arith.constant 0 : i32
      %dma_start3A_33 = arith.constant 0 : i32
      %dma_start3A_34 = tpu.memref_slice %arg7[%dma_start3A_32, %dma_start3A_33] : memref<200x64xf32, #tpu.memory_space<vmem>> -> memref<128x64xf32, #tpu.memory_space<vmem>>
      %dma_start3A_35 = arith.constant 0 : i32
      %dma_start3A_36 = tpu.memref_slice %arg5[%add3A_31, %dma_start3A_35] : memref<128x208xi32, #tpu.memory_space<vmem>> -> memref<1x128xi32, #tpu.memory_space<vmem>>
      %dma_start3A_37 = tpu.memref_squeeze %dma_start3A_36 : memref<1x128xi32, #tpu.memory_space<vmem>> -> memref<128xi32, #tpu.memory_space<vmem>>
      %dma_start3A_38 = arith.constant 0 : i32
      %dma_start3A_39 = arith.constant 0 : i32
      %dma_start3A_40 = tpu.memref_slice %arg3[%dma_start3A_38, %dma_start3A_39] : memref<100004x64xf32, #tpu.memory_space<hbm>> -> memref<100004x64xf32, #tpu.memory_space<hbm>>
      tpu.enqueue_indirect_dma source(%dma_start3A_40 : memref<100004x64xf32, #tpu.memory_space<hbm>>) target(%dma_start3A_34 : memref<128x64xf32, #tpu.memory_space<vmem>>) offsets(%dma_start3A_37 : memref<128xi32, #tpu.memory_space<vmem>>) semaphore(%arg10 : memref<!tpu.dma_semaphore, #tpu.memory_space<semaphore_mem>>)
      %dma_start3A_41 = arith.constant 128 : i32
      %dma_start3A_42 = arith.constant 0 : i32
      %dma_start3A_43 = tpu.memref_slice %arg7[%dma_start3A_41, %dma_start3A_42] : memref<200x64xf32, #tpu.memory_space<vmem>> -> memref<72x64xf32, #tpu.memory_space<vmem>>
      %dma_start3A_44 = arith.constant 128 : i32
      %dma_start3A_45 = tpu.memref_slice %arg5[%add3A_31, %dma_start3A_44] : memref<128x208xi32, #tpu.memory_space<vmem>> -> memref<1x72xi32, #tpu.memory_space<vmem>>
      %dma_start3A_46 = tpu.memref_squeeze %dma_start3A_45 : memref<1x72xi32, #tpu.memory_space<vmem>> -> memref<72xi32, #tpu.memory_space<vmem>>
      %dma_start3A_47 = arith.constant 0 : i32
      %dma_start3A_48 = arith.constant 0 : i32
      %dma_start3A_49 = tpu.memref_slice %arg3[%dma_start3A_47, %dma_start3A_48] : memref<100004x64xf32, #tpu.memory_space<hbm>> -> memref<100004x64xf32, #tpu.memory_space<hbm>>
      tpu.enqueue_indirect_dma source(%dma_start3A_49 : memref<100004x64xf32, #tpu.memory_space<hbm>>) target(%dma_start3A_43 : memref<72x64xf32, #tpu.memory_space<vmem>>) offsets(%dma_start3A_46 : memref<72xi32, #tpu.memory_space<vmem>>) semaphore(%arg10 : memref<!tpu.dma_semaphore, #tpu.memory_space<semaphore_mem>>)
      %dma_wait3A = arith.constant 0 : i32
      %dma_wait3A_50 = arith.constant 0 : i32
      %dma_wait3A_51 = tpu.memref_slice %arg3[%dma_wait3A, %dma_wait3A_50] : memref<100004x64xf32, #tpu.memory_space<hbm>> -> memref<200x64xf32, #tpu.memory_space<hbm>>
      %dma_wait3A_52 = arith.constant 0 : i32
      %dma_wait3A_53 = arith.constant 0 : i32
      %dma_wait3A_54 = tpu.memref_slice %arg3[%dma_wait3A_52, %dma_wait3A_53] : memref<100004x64xf32, #tpu.memory_space<hbm>> -> memref<200x64xf32, #tpu.memory_space<hbm>>
      tpu.wait_dma2 semaphore(%arg9 : memref<!tpu.dma_semaphore, #tpu.memory_space<semaphore_mem>>) src(%dma_wait3A_54 : memref<200x64xf32, #tpu.memory_space<hbm>>) dst(%arg6 : memref<200x64xf32, #tpu.memory_space<vmem>>)
      %broadcast_in_dim3A = arith.constant 0.000000e+00 : f32
      %broadcast_in_dim3A_55 = vector.broadcast %broadcast_in_dim3A : f32 to vector<16xf32>
      %scan3A_56 = arith.constant 0 : i32
      %scan3A_57 = arith.constant 12 : i32
      %scan3A_58 = arith.addi %scan3A_56, %scan3A_57 : i32
      %scan3A_59 = arith.constant 4 : i32
      %scan3A_60 = scf.for %scan3A_162 = %scan3A_56 to %scan3A_58 step %scan3A_59 iter_args(%scan3A_163 = %broadcast_in_dim3A_55) -> (vector<16xf32>)  : i32 {
        %mul3A_164 = arith.constant 16 : i32
        %mul3A_165 = arith.muli %scan3A_162, %mul3A_164 : i32
        %get3A_166 = arith.index_cast %mul3A_29 : i32 to index
        %get3A_167 = arith.index_cast %mul3A_165 : i32 to index
        %get3A_168 = tpu.vector_load %arg5[%get3A_166, %get3A_167] {strides = array<i32>} : memref<128x208xi32, #tpu.memory_space<vmem>>, vector<16xi32>,
        %ne3A_169 = arith.constant 0 : i32
        %ne3A_170 = vector.broadcast %ne3A_169 : i32 to vector<16xi32>
        %ne3A_171 = arith.cmpi ne, %get3A_168, %ne3A_170 : vector<16xi32>
        %jit3A_172 = arith.constant 1.000000e+00 : f32
        %jit3A_173 = arith.constant 0.000000e+00 : f32
        %broadcast_in_dim3A_174 = vector.broadcast %jit3A_172 : f32 to vector<16xf32>
        %broadcast_in_dim3A_175 = vector.broadcast %jit3A_173 : f32 to vector<16xf32>
        %select_n3A_176 = arith.select %ne3A_171, %broadcast_in_dim3A_174, %broadcast_in_dim3A_175 : vector<16xi1>, vector<16xf32>
        %add3A_177 = arith.addf %scan3A_163, %select_n3A_176 : vector<16xf32>
        %scan3A_178 = arith.constant 1 : i32
        %scan3A_179 = arith.addi %scan3A_162, %scan3A_178 : i32
        %mul3A_180 = arith.constant 16 : i32
        %mul3A_181 = arith.muli %scan3A_179, %mul3A_180 : i32
        %get3A_182 = arith.index_cast %mul3A_29 : i32 to index
        %get3A_183 = arith.index_cast %mul3A_181 : i32 to index
        %get3A_184 = tpu.vector_load %arg5[%get3A_182, %get3A_183] {strides = array<i32>} : memref<128x208xi32, #tpu.memory_space<vmem>>, vector<16xi32>,
        %ne3A_185 = arith.constant 0 : i32
        %ne3A_186 = vector.broadcast %ne3A_185 : i32 to vector<16xi32>
        %ne3A_187 = arith.cmpi ne, %get3A_184, %ne3A_186 : vector<16xi32>
        %jit3A_188 = arith.constant 1.000000e+00 : f32
        %jit3A_189 = arith.constant 0.000000e+00 : f32
        %broadcast_in_dim3A_190 = vector.broadcast %jit3A_188 : f32 to vector<16xf32>
        %broadcast_in_dim3A_191 = vector.broadcast %jit3A_189 : f32 to vector<16xf32>
        %select_n3A_192 = arith.select %ne3A_187, %broadcast_in_dim3A_190, %broadcast_in_dim3A_191 : vector<16xi1>, vector<16xf32>
        %add3A_193 = arith.addf %add3A_177, %select_n3A_192 : vector<16xf32>
        %scan3A_194 = arith.constant 2 : i32
        %scan3A_195 = arith.addi %scan3A_162, %scan3A_194 : i32
        %mul3A_196 = arith.constant 16 : i32
        %mul3A_197 = arith.muli %scan3A_195, %mul3A_196 : i32
        %get3A_198 = arith.index_cast %mul3A_29 : i32 to index
        %get3A_199 = arith.index_cast %mul3A_197 : i32 to index
        %get3A_200 = tpu.vector_load %arg5[%get3A_198, %get3A_199] {strides = array<i32>} : memref<128x208xi32, #tpu.memory_space<vmem>>, vector<16xi32>,
        %ne3A_201 = arith.constant 0 : i32
        %ne3A_202 = vector.broadcast %ne3A_201 : i32 to vector<16xi32>
        %ne3A_203 = arith.cmpi ne, %get3A_200, %ne3A_202 : vector<16xi32>
        %jit3A_204 = arith.constant 1.000000e+00 : f32
        %jit3A_205 = arith.constant 0.000000e+00 : f32
        %broadcast_in_dim3A_206 = vector.broadcast %jit3A_204 : f32 to vector<16xf32>
        %broadcast_in_dim3A_207 = vector.broadcast %jit3A_205 : f32 to vector<16xf32>
        %select_n3A_208 = arith.select %ne3A_203, %broadcast_in_dim3A_206, %broadcast_in_dim3A_207 : vector<16xi1>, vector<16xf32>
        %add3A_209 = arith.addf %add3A_193, %select_n3A_208 : vector<16xf32>
        %scan3A_210 = arith.constant 3 : i32
        %scan3A_211 = arith.addi %scan3A_162, %scan3A_210 : i32
        %mul3A_212 = arith.constant 16 : i32
        %mul3A_213 = arith.muli %scan3A_211, %mul3A_212 : i32
        %get3A_214 = arith.index_cast %mul3A_29 : i32 to index
        %get3A_215 = arith.index_cast %mul3A_213 : i32 to index
        %get3A_216 = tpu.vector_load %arg5[%get3A_214, %get3A_215] {strides = array<i32>} : memref<128x208xi32, #tpu.memory_space<vmem>>, vector<16xi32>,
        %ne3A_217 = arith.constant 0 : i32
        %ne3A_218 = vector.broadcast %ne3A_217 : i32 to vector<16xi32>
        %ne3A_219 = arith.cmpi ne, %get3A_216, %ne3A_218 : vector<16xi32>
        %jit3A_220 = arith.constant 1.000000e+00 : f32
        %jit3A_221 = arith.constant 0.000000e+00 : f32
        %broadcast_in_dim3A_222 = vector.broadcast %jit3A_220 : f32 to vector<16xf32>
        %broadcast_in_dim3A_223 = vector.broadcast %jit3A_221 : f32 to vector<16xf32>
        %select_n3A_224 = arith.select %ne3A_219, %broadcast_in_dim3A_222, %broadcast_in_dim3A_223 : vector<16xi1>, vector<16xf32>
        %add3A_225 = arith.addf %add3A_209, %select_n3A_224 : vector<16xf32>
        scf.yield %add3A_225 : vector<16xf32>
      }
      %scan3A_61 = arith.constant 12 : i32
      %get3A = arith.index_cast %mul3A_29 : i32 to index
      %get3A_62 = arith.constant 192 : index
      %get3A_63 = tpu.vector_load %arg5[%get3A, %get3A_62] {strides = array<i32>} : memref<128x208xi32, #tpu.memory_space<vmem>>, vector<16xi32>,
      %ne3A = arith.constant 0 : i32
      %ne3A_64 = vector.broadcast %ne3A : i32 to vector<16xi32>
      %ne3A_65 = arith.cmpi ne, %get3A_63, %ne3A_64 : vector<16xi32>
      %lt3A = arith.constant 8 : i32
      %lt3A_66 = vector.broadcast %lt3A : i32 to vector<16xi32>
      %lt3A_67 = arith.cmpi slt, %iota3A, %lt3A_66 : vector<16xi32>
      %and3A = arith.andi %ne3A_65, %lt3A_67 : vector<16xi1>
      %jit3A = arith.constant 1.000000e+00 : f32
      %jit3A_68 = arith.constant 0.000000e+00 : f32
      %broadcast_in_dim3A_69 = vector.broadcast %jit3A : f32 to vector<16xf32>
      %broadcast_in_dim3A_70 = vector.broadcast %jit3A_68 : f32 to vector<16xf32>
      %select_n3A = arith.select %and3A, %broadcast_in_dim3A_69, %broadcast_in_dim3A_70 : vector<16xi1>, vector<16xf32>
      %add3A_71 = arith.addf %scan3A_60, %select_n3A : vector<16xf32>
      %reduce_sum3A = arith.constant true
      %reduce_sum3A_72 = vector.broadcast %reduce_sum3A : i1 to vector<16xi1>
      %reduce_sum3A_73 = tpu.scan <sum>, %add3A_71 masked %reduce_sum3A_72 : vector<16xf32>, vector<16xi1> -> vector<16xf32>
      %reduce_sum3A_74 = vector.extract %reduce_sum3A_73[15] : f32 from vector<16xf32>
      %broadcast_in_dim3A_75 = vector.broadcast %reduce_sum3A_74 : f32 to vector<16xf32>
      %broadcast_in_dim3A_76 = arith.constant 0.000000e+00 : f32
      %broadcast_in_dim3A_77 = vector.broadcast %broadcast_in_dim3A_76 : f32 to vector<16xf32>
      %scan3A_78 = arith.constant 0 : i32
      %scan3A_79 = arith.constant 200 : i32
      %scan3A_80 = arith.addi %scan3A_78, %scan3A_79 : i32
      %scan3A_81 = arith.constant 8 : i32
      %scan3A_82:4 = scf.for %scan3A_162 = %scan3A_78 to %scan3A_80 step %scan3A_81 iter_args(%scan3A_163 = %broadcast_in_dim3A_77, %scan3A_164 = %broadcast_in_dim3A_77, %scan3A_165 = %broadcast_in_dim3A_77, %scan3A_166 = %broadcast_in_dim3A_77) -> (vector<16xf32>, vector<16xf32>, vector<16xf32>, vector<16xf32>)  : i32 {
        %get3A_167 = arith.index_cast %scan3A_162 : i32 to index
        %get3A_168 = arith.constant 0 : index
        %get3A_169 = tpu.vector_load %arg6[%get3A_167, %get3A_168] {strides = array<i32>} : memref<200x64xf32, #tpu.memory_space<vmem>>, vector<16xf32>,
        %add3A_170 = arith.addf %scan3A_163, %get3A_169 : vector<16xf32>
        %get3A_171 = arith.index_cast %scan3A_162 : i32 to index
        %get3A_172 = arith.constant 16 : index
        %get3A_173 = tpu.vector_load %arg6[%get3A_171, %get3A_172] {strides = array<i32>} : memref<200x64xf32, #tpu.memory_space<vmem>>, vector<16xf32>,
        %add3A_174 = arith.addf %scan3A_164, %get3A_173 : vector<16xf32>
        %get3A_175 = arith.index_cast %scan3A_162 : i32 to index
        %get3A_176 = arith.constant 32 : index
        %get3A_177 = tpu.vector_load %arg6[%get3A_175, %get3A_176] {strides = array<i32>} : memref<200x64xf32, #tpu.memory_space<vmem>>, vector<16xf32>,
        %add3A_178 = arith.addf %scan3A_165, %get3A_177 : vector<16xf32>
        %get3A_179 = arith.index_cast %scan3A_162 : i32 to index
        %get3A_180 = arith.constant 48 : index
        %get3A_181 = tpu.vector_load %arg6[%get3A_179, %get3A_180] {strides = array<i32>} : memref<200x64xf32, #tpu.memory_space<vmem>>, vector<16xf32>,
        %add3A_182 = arith.addf %scan3A_166, %get3A_181 : vector<16xf32>
        %scan3A_183 = arith.constant 1 : i32
        %scan3A_184 = arith.addi %scan3A_162, %scan3A_183 : i32
        %get3A_185 = arith.index_cast %scan3A_184 : i32 to index
        %get3A_186 = arith.constant 0 : index
        %get3A_187 = tpu.vector_load %arg6[%get3A_185, %get3A_186] {strides = array<i32>} : memref<200x64xf32, #tpu.memory_space<vmem>>, vector<16xf32>,
        %add3A_188 = arith.addf %add3A_170, %get3A_187 : vector<16xf32>
        %get3A_189 = arith.index_cast %scan3A_184 : i32 to index
        %get3A_190 = arith.constant 16 : index
        %get3A_191 = tpu.vector_load %arg6[%get3A_189, %get3A_190] {strides = array<i32>} : memref<200x64xf32, #tpu.memory_space<vmem>>, vector<16xf32>,
        %add3A_192 = arith.addf %add3A_174, %get3A_191 : vector<16xf32>
        %get3A_193 = arith.index_cast %scan3A_184 : i32 to index
        %get3A_194 = arith.constant 32 : index
        %get3A_195 = tpu.vector_load %arg6[%get3A_193, %get3A_194] {strides = array<i32>} : memref<200x64xf32, #tpu.memory_space<vmem>>, vector<16xf32>,
        %add3A_196 = arith.addf %add3A_178, %get3A_195 : vector<16xf32>
        %get3A_197 = arith.index_cast %scan3A_184 : i32 to index
        %get3A_198 = arith.constant 48 : index
        %get3A_199 = tpu.vector_load %arg6[%get3A_197, %get3A_198] {strides = array<i32>} : memref<200x64xf32, #tpu.memory_space<vmem>>, vector<16xf32>,
        %add3A_200 = arith.addf %add3A_182, %get3A_199 : vector<16xf32>
        %scan3A_201 = arith.constant 2 : i32
        %scan3A_202 = arith.addi %scan3A_162, %scan3A_201 : i32
        %get3A_203 = arith.index_cast %scan3A_202 : i32 to index
        %get3A_204 = arith.constant 0 : index
        %get3A_205 = tpu.vector_load %arg6[%get3A_203, %get3A_204] {strides = array<i32>} : memref<200x64xf32, #tpu.memory_space<vmem>>, vector<16xf32>,
        %add3A_206 = arith.addf %add3A_188, %get3A_205 : vector<16xf32>
        %get3A_207 = arith.index_cast %scan3A_202 : i32 to index
        %get3A_208 = arith.constant 16 : index
        %get3A_209 = tpu.vector_load %arg6[%get3A_207, %get3A_208] {strides = array<i32>} : memref<200x64xf32, #tpu.memory_space<vmem>>, vector<16xf32>,
        %add3A_210 = arith.addf %add3A_192, %get3A_209 : vector<16xf32>
        %get3A_211 = arith.index_cast %scan3A_202 : i32 to index
        %get3A_212 = arith.constant 32 : index
        %get3A_213 = tpu.vector_load %arg6[%get3A_211, %get3A_212] {strides = array<i32>} : memref<200x64xf32, #tpu.memory_space<vmem>>, vector<16xf32>,
        %add3A_214 = arith.addf %add3A_196, %get3A_213 : vector<16xf32>
        %get3A_215 = arith.index_cast %scan3A_202 : i32 to index
        %get3A_216 = arith.constant 48 : index
        %get3A_217 = tpu.vector_load %arg6[%get3A_215, %get3A_216] {strides = array<i32>} : memref<200x64xf32, #tpu.memory_space<vmem>>, vector<16xf32>,
        %add3A_218 = arith.addf %add3A_200, %get3A_217 : vector<16xf32>
        %scan3A_219 = arith.constant 3 : i32
        %scan3A_220 = arith.addi %scan3A_162, %scan3A_219 : i32
        %get3A_221 = arith.index_cast %scan3A_220 : i32 to index
        %get3A_222 = arith.constant 0 : index
        %get3A_223 = tpu.vector_load %arg6[%get3A_221, %get3A_222] {strides = array<i32>} : memref<200x64xf32, #tpu.memory_space<vmem>>, vector<16xf32>,
        %add3A_224 = arith.addf %add3A_206, %get3A_223 : vector<16xf32>
        %get3A_225 = arith.index_cast %scan3A_220 : i32 to index
        %get3A_226 = arith.constant 16 : index
        %get3A_227 = tpu.vector_load %arg6[%get3A_225, %get3A_226] {strides = array<i32>} : memref<200x64xf32, #tpu.memory_space<vmem>>, vector<16xf32>,
        %add3A_228 = arith.addf %add3A_210, %get3A_227 : vector<16xf32>
        %get3A_229 = arith.index_cast %scan3A_220 : i32 to index
        %get3A_230 = arith.constant 32 : index
        %get3A_231 = tpu.vector_load %arg6[%get3A_229, %get3A_230] {strides = array<i32>} : memref<200x64xf32, #tpu.memory_space<vmem>>, vector<16xf32>,
        %add3A_232 = arith.addf %add3A_214, %get3A_231 : vector<16xf32>
        %get3A_233 = arith.index_cast %scan3A_220 : i32 to index
        %get3A_234 = arith.constant 48 : index
        %get3A_235 = tpu.vector_load %arg6[%get3A_233, %get3A_234] {strides = array<i32>} : memref<200x64xf32, #tpu.memory_space<vmem>>, vector<16xf32>,
        %add3A_236 = arith.addf %add3A_218, %get3A_235 : vector<16xf32>
        %scan3A_237 = arith.constant 4 : i32
        %scan3A_238 = arith.addi %scan3A_162, %scan3A_237 : i32
        %get3A_239 = arith.index_cast %scan3A_238 : i32 to index
        %get3A_240 = arith.constant 0 : index
        %get3A_241 = tpu.vector_load %arg6[%get3A_239, %get3A_240] {strides = array<i32>} : memref<200x64xf32, #tpu.memory_space<vmem>>, vector<16xf32>,
        %add3A_242 = arith.addf %add3A_224, %get3A_241 : vector<16xf32>
        %get3A_243 = arith.index_cast %scan3A_238 : i32 to index
        %get3A_244 = arith.constant 16 : index
        %get3A_245 = tpu.vector_load %arg6[%get3A_243, %get3A_244] {strides = array<i32>} : memref<200x64xf32, #tpu.memory_space<vmem>>, vector<16xf32>,
        %add3A_246 = arith.addf %add3A_228, %get3A_245 : vector<16xf32>
        %get3A_247 = arith.index_cast %scan3A_238 : i32 to index
        %get3A_248 = arith.constant 32 : index
        %get3A_249 = tpu.vector_load %arg6[%get3A_247, %get3A_248] {strides = array<i32>} : memref<200x64xf32, #tpu.memory_space<vmem>>, vector<16xf32>,
        %add3A_250 = arith.addf %add3A_232, %get3A_249 : vector<16xf32>
        %get3A_251 = arith.index_cast %scan3A_238 : i32 to index
        %get3A_252 = arith.constant 48 : index
        %get3A_253 = tpu.vector_load %arg6[%get3A_251, %get3A_252] {strides = array<i32>} : memref<200x64xf32, #tpu.memory_space<vmem>>, vector<16xf32>,
        %add3A_254 = arith.addf %add3A_236, %get3A_253 : vector<16xf32>
        %scan3A_255 = arith.constant 5 : i32
        %scan3A_256 = arith.addi %scan3A_162, %scan3A_255 : i32
        %get3A_257 = arith.index_cast %scan3A_256 : i32 to index
        %get3A_258 = arith.constant 0 : index
        %get3A_259 = tpu.vector_load %arg6[%get3A_257, %get3A_258] {strides = array<i32>} : memref<200x64xf32, #tpu.memory_space<vmem>>, vector<16xf32>,
        %add3A_260 = arith.addf %add3A_242, %get3A_259 : vector<16xf32>
        %get3A_261 = arith.index_cast %scan3A_256 : i32 to index
        %get3A_262 = arith.constant 16 : index
        %get3A_263 = tpu.vector_load %arg6[%get3A_261, %get3A_262] {strides = array<i32>} : memref<200x64xf32, #tpu.memory_space<vmem>>, vector<16xf32>,
        %add3A_264 = arith.addf %add3A_246, %get3A_263 : vector<16xf32>
        %get3A_265 = arith.index_cast %scan3A_256 : i32 to index
        %get3A_266 = arith.constant 32 : index
        %get3A_267 = tpu.vector_load %arg6[%get3A_265, %get3A_266] {strides = array<i32>} : memref<200x64xf32, #tpu.memory_space<vmem>>, vector<16xf32>,
        %add3A_268 = arith.addf %add3A_250, %get3A_267 : vector<16xf32>
        %get3A_269 = arith.index_cast %scan3A_256 : i32 to index
        %get3A_270 = arith.constant 48 : index
        %get3A_271 = tpu.vector_load %arg6[%get3A_269, %get3A_270] {strides = array<i32>} : memref<200x64xf32, #tpu.memory_space<vmem>>, vector<16xf32>,
        %add3A_272 = arith.addf %add3A_254, %get3A_271 : vector<16xf32>
        %scan3A_273 = arith.constant 6 : i32
        %scan3A_274 = arith.addi %scan3A_162, %scan3A_273 : i32
        %get3A_275 = arith.index_cast %scan3A_274 : i32 to index
        %get3A_276 = arith.constant 0 : index
        %get3A_277 = tpu.vector_load %arg6[%get3A_275, %get3A_276] {strides = array<i32>} : memref<200x64xf32, #tpu.memory_space<vmem>>, vector<16xf32>,
        %add3A_278 = arith.addf %add3A_260, %get3A_277 : vector<16xf32>
        %get3A_279 = arith.index_cast %scan3A_274 : i32 to index
        %get3A_280 = arith.constant 16 : index
        %get3A_281 = tpu.vector_load %arg6[%get3A_279, %get3A_280] {strides = array<i32>} : memref<200x64xf32, #tpu.memory_space<vmem>>, vector<16xf32>,
        %add3A_282 = arith.addf %add3A_264, %get3A_281 : vector<16xf32>
        %get3A_283 = arith.index_cast %scan3A_274 : i32 to index
        %get3A_284 = arith.constant 32 : index
        %get3A_285 = tpu.vector_load %arg6[%get3A_283, %get3A_284] {strides = array<i32>} : memref<200x64xf32, #tpu.memory_space<vmem>>, vector<16xf32>,
        %add3A_286 = arith.addf %add3A_268, %get3A_285 : vector<16xf32>
        %get3A_287 = arith.index_cast %scan3A_274 : i32 to index
        %get3A_288 = arith.constant 48 : index
        %get3A_289 = tpu.vector_load %arg6[%get3A_287, %get3A_288] {strides = array<i32>} : memref<200x64xf32, #tpu.memory_space<vmem>>, vector<16xf32>,
        %add3A_290 = arith.addf %add3A_272, %get3A_289 : vector<16xf32>
        %scan3A_291 = arith.constant 7 : i32
        %scan3A_292 = arith.addi %scan3A_162, %scan3A_291 : i32
        %get3A_293 = arith.index_cast %scan3A_292 : i32 to index
        %get3A_294 = arith.constant 0 : index
        %get3A_295 = tpu.vector_load %arg6[%get3A_293, %get3A_294] {strides = array<i32>} : memref<200x64xf32, #tpu.memory_space<vmem>>, vector<16xf32>,
        %add3A_296 = arith.addf %add3A_278, %get3A_295 : vector<16xf32>
        %get3A_297 = arith.index_cast %scan3A_292 : i32 to index
        %get3A_298 = arith.constant 16 : index
        %get3A_299 = tpu.vector_load %arg6[%get3A_297, %get3A_298] {strides = array<i32>} : memref<200x64xf32, #tpu.memory_space<vmem>>, vector<16xf32>,
        %add3A_300 = arith.addf %add3A_282, %get3A_299 : vector<16xf32>
        %get3A_301 = arith.index_cast %scan3A_292 : i32 to index
        %get3A_302 = arith.constant 32 : index
        %get3A_303 = tpu.vector_load %arg6[%get3A_301, %get3A_302] {strides = array<i32>} : memref<200x64xf32, #tpu.memory_space<vmem>>, vector<16xf32>,
        %add3A_304 = arith.addf %add3A_286, %get3A_303 : vector<16xf32>
        %get3A_305 = arith.index_cast %scan3A_292 : i32 to index
        %get3A_306 = arith.constant 48 : index
        %get3A_307 = tpu.vector_load %arg6[%get3A_305, %get3A_306] {strides = array<i32>} : memref<200x64xf32, #tpu.memory_space<vmem>>, vector<16xf32>,
        %add3A_308 = arith.addf %add3A_290, %get3A_307 : vector<16xf32>
        scf.yield %add3A_296, %add3A_300, %add3A_304, %add3A_308 : vector<16xf32>, vector<16xf32>, vector<16xf32>, vector<16xf32>
      }
      %scan3A_83 = arith.constant 200 : i32
      %div3A = arith.divf %scan3A_82#0, %broadcast_in_dim3A_75 : vector<16xf32>
      %swap3A = arith.index_cast %mul3A_29 : i32 to index
      %swap3A_84 = arith.constant 0 : index
      %swap3A_85 = tpu.vector_load %arg8[%swap3A, %swap3A_84] {strides = array<i32>} : memref<128x64xf32, #tpu.memory_space<vmem>>, vector<16xf32>,
      tpu.vector_store %arg8[%swap3A, %swap3A_84], %div3A {strides = array<i32>} : memref<128x64xf32, #tpu.memory_space<vmem>>, vector<16xf32>,
      %div3A_86 = arith.divf %scan3A_82#1, %broadcast_in_dim3A_75 : vector<16xf32>
      %swap3A_87 = arith.index_cast %mul3A_29 : i32 to index
      %swap3A_88 = arith.constant 16 : index
      %swap3A_89 = tpu.vector_load %arg8[%swap3A_87, %swap3A_88] {strides = array<i32>} : memref<128x64xf32, #tpu.memory_space<vmem>>, vector<16xf32>,
      tpu.vector_store %arg8[%swap3A_87, %swap3A_88], %div3A_86 {strides = array<i32>} : memref<128x64xf32, #tpu.memory_space<vmem>>, vector<16xf32>,
      %div3A_90 = arith.divf %scan3A_82#2, %broadcast_in_dim3A_75 : vector<16xf32>
      %swap3A_91 = arith.index_cast %mul3A_29 : i32 to index
      %swap3A_92 = arith.constant 32 : index
      %swap3A_93 = tpu.vector_load %arg8[%swap3A_91, %swap3A_92] {strides = array<i32>} : memref<128x64xf32, #tpu.memory_space<vmem>>, vector<16xf32>,
      tpu.vector_store %arg8[%swap3A_91, %swap3A_92], %div3A_90 {strides = array<i32>} : memref<128x64xf32, #tpu.memory_space<vmem>>, vector<16xf32>,
      %div3A_94 = arith.divf %scan3A_82#3, %broadcast_in_dim3A_75 : vector<16xf32>
      %swap3A_95 = arith.index_cast %mul3A_29 : i32 to index
      %swap3A_96 = arith.constant 48 : index
      %swap3A_97 = tpu.vector_load %arg8[%swap3A_95, %swap3A_96] {strides = array<i32>} : memref<128x64xf32, #tpu.memory_space<vmem>>, vector<16xf32>,
      tpu.vector_store %arg8[%swap3A_95, %swap3A_96], %div3A_94 {strides = array<i32>} : memref<128x64xf32, #tpu.memory_space<vmem>>, vector<16xf32>,
      %lt3A_98 = arith.constant 63 : i32
      %lt3A_99 = arith.cmpi slt, %scan3A_27, %lt3A_98 : i32
      %convert_element_type3A = arith.extui %lt3A_99 : i1 to i32
      %cond3A = arith.constant 0 : i32
      %cond3A_100 = arith.cmpi ne, %convert_element_type3A, %cond3A : i32
      scf.if %cond3A_100 {
        %add3A_162 = arith.constant 2 : i32
        %add3A_163 = arith.addi %mul3A_29, %add3A_162 : i32
        %dma_start3A_164 = arith.constant 0 : i32
        %dma_start3A_165 = arith.constant 0 : i32
        %dma_start3A_166 = tpu.memref_slice %arg6[%dma_start3A_164, %dma_start3A_165] : memref<200x64xf32, #tpu.memory_space<vmem>> -> memref<128x64xf32, #tpu.memory_space<vmem>>
        %dma_start3A_167 = arith.constant 0 : i32
        %dma_start3A_168 = tpu.memref_slice %arg5[%add3A_163, %dma_start3A_167] : memref<128x208xi32, #tpu.memory_space<vmem>> -> memref<1x128xi32, #tpu.memory_space<vmem>>
        %dma_start3A_169 = tpu.memref_squeeze %dma_start3A_168 : memref<1x128xi32, #tpu.memory_space<vmem>> -> memref<128xi32, #tpu.memory_space<vmem>>
        %dma_start3A_170 = arith.constant 0 : i32
        %dma_start3A_171 = arith.constant 0 : i32
        %dma_start3A_172 = tpu.memref_slice %arg3[%dma_start3A_170, %dma_start3A_171] : memref<100004x64xf32, #tpu.memory_space<hbm>> -> memref<100004x64xf32, #tpu.memory_space<hbm>>
        tpu.enqueue_indirect_dma source(%dma_start3A_172 : memref<100004x64xf32, #tpu.memory_space<hbm>>) target(%dma_start3A_166 : memref<128x64xf32, #tpu.memory_space<vmem>>) offsets(%dma_start3A_169 : memref<128xi32, #tpu.memory_space<vmem>>) semaphore(%arg9 : memref<!tpu.dma_semaphore, #tpu.memory_space<semaphore_mem>>)
        %dma_start3A_173 = arith.constant 128 : i32
        %dma_start3A_174 = arith.constant 0 : i32
        %dma_start3A_175 = tpu.memref_slice %arg6[%dma_start3A_173, %dma_start3A_174] : memref<200x64xf32, #tpu.memory_space<vmem>> -> memref<72x64xf32, #tpu.memory_space<vmem>>
        %dma_start3A_176 = arith.constant 128 : i32
        %dma_start3A_177 = tpu.memref_slice %arg5[%add3A_163, %dma_start3A_176] : memref<128x208xi32, #tpu.memory_space<vmem>> -> memref<1x72xi32, #tpu.memory_space<vmem>>
        %dma_start3A_178 = tpu.memref_squeeze %dma_start3A_177 : memref<1x72xi32, #tpu.memory_space<vmem>> -> memref<72xi32, #tpu.memory_space<vmem>>
        %dma_start3A_179 = arith.constant 0 : i32
        %dma_start3A_180 = arith.constant 0 : i32
        %dma_start3A_181 = tpu.memref_slice %arg3[%dma_start3A_179, %dma_start3A_180] : memref<100004x64xf32, #tpu.memory_space<hbm>> -> memref<100004x64xf32, #tpu.memory_space<hbm>>
        tpu.enqueue_indirect_dma source(%dma_start3A_181 : memref<100004x64xf32, #tpu.memory_space<hbm>>) target(%dma_start3A_175 : memref<72x64xf32, #tpu.memory_space<vmem>>) offsets(%dma_start3A_178 : memref<72xi32, #tpu.memory_space<vmem>>) semaphore(%arg9 : memref<!tpu.dma_semaphore, #tpu.memory_space<semaphore_mem>>)
      } else {
      }
      %dma_wait3A_101 = arith.constant 0 : i32
      %dma_wait3A_102 = arith.constant 0 : i32
      %dma_wait3A_103 = tpu.memref_slice %arg3[%dma_wait3A_101, %dma_wait3A_102] : memref<100004x64xf32, #tpu.memory_space<hbm>> -> memref<200x64xf32, #tpu.memory_space<hbm>>
      %dma_wait3A_104 = arith.constant 0 : i32
      %dma_wait3A_105 = arith.constant 0 : i32
      %dma_wait3A_106 = tpu.memref_slice %arg3[%dma_wait3A_104, %dma_wait3A_105] : memref<100004x64xf32, #tpu.memory_space<hbm>> -> memref<200x64xf32, #tpu.memory_space<hbm>>
      tpu.wait_dma2 semaphore(%arg10 : memref<!tpu.dma_semaphore, #tpu.memory_space<semaphore_mem>>) src(%dma_wait3A_106 : memref<200x64xf32, #tpu.memory_space<hbm>>) dst(%arg7 : memref<200x64xf32, #tpu.memory_space<vmem>>)
      %add3A_107 = arith.constant 1 : i32
      %add3A_108 = arith.addi %mul3A_29, %add3A_107 : i32
      %broadcast_in_dim3A_109 = arith.constant 0.000000e+00 : f32
      %broadcast_in_dim3A_110 = vector.broadcast %broadcast_in_dim3A_109 : f32 to vector<16xf32>
      %scan3A_111 = arith.constant 0 : i32
      %scan3A_112 = arith.constant 12 : i32
      %scan3A_113 = arith.addi %scan3A_111, %scan3A_112 : i32
      %scan3A_114 = arith.constant 4 : i32
      %scan3A_115 = scf.for %scan3A_162 = %scan3A_111 to %scan3A_113 step %scan3A_114 iter_args(%scan3A_163 = %broadcast_in_dim3A_110) -> (vector<16xf32>)  : i32 {
        %mul3A_164 = arith.constant 16 : i32
        %mul3A_165 = arith.muli %scan3A_162, %mul3A_164 : i32
        %get3A_166 = arith.index_cast %add3A_108 : i32 to index
        %get3A_167 = arith.index_cast %mul3A_165 : i32 to index
        %get3A_168 = tpu.vector_load %arg5[%get3A_166, %get3A_167] {strides = array<i32>} : memref<128x208xi32, #tpu.memory_space<vmem>>, vector<16xi32>,
        %ne3A_169 = arith.constant 0 : i32
        %ne3A_170 = vector.broadcast %ne3A_169 : i32 to vector<16xi32>
        %ne3A_171 = arith.cmpi ne, %get3A_168, %ne3A_170 : vector<16xi32>
        %jit3A_172 = arith.constant 1.000000e+00 : f32
        %jit3A_173 = arith.constant 0.000000e+00 : f32
        %broadcast_in_dim3A_174 = vector.broadcast %jit3A_172 : f32 to vector<16xf32>
        %broadcast_in_dim3A_175 = vector.broadcast %jit3A_173 : f32 to vector<16xf32>
        %select_n3A_176 = arith.select %ne3A_171, %broadcast_in_dim3A_174, %broadcast_in_dim3A_175 : vector<16xi1>, vector<16xf32>
        %add3A_177 = arith.addf %scan3A_163, %select_n3A_176 : vector<16xf32>
        %scan3A_178 = arith.constant 1 : i32
        %scan3A_179 = arith.addi %scan3A_162, %scan3A_178 : i32
        %mul3A_180 = arith.constant 16 : i32
        %mul3A_181 = arith.muli %scan3A_179, %mul3A_180 : i32
        %get3A_182 = arith.index_cast %add3A_108 : i32 to index
        %get3A_183 = arith.index_cast %mul3A_181 : i32 to index
        %get3A_184 = tpu.vector_load %arg5[%get3A_182, %get3A_183] {strides = array<i32>} : memref<128x208xi32, #tpu.memory_space<vmem>>, vector<16xi32>,
        %ne3A_185 = arith.constant 0 : i32
        %ne3A_186 = vector.broadcast %ne3A_185 : i32 to vector<16xi32>
        %ne3A_187 = arith.cmpi ne, %get3A_184, %ne3A_186 : vector<16xi32>
        %jit3A_188 = arith.constant 1.000000e+00 : f32
        %jit3A_189 = arith.constant 0.000000e+00 : f32
        %broadcast_in_dim3A_190 = vector.broadcast %jit3A_188 : f32 to vector<16xf32>
        %broadcast_in_dim3A_191 = vector.broadcast %jit3A_189 : f32 to vector<16xf32>
        %select_n3A_192 = arith.select %ne3A_187, %broadcast_in_dim3A_190, %broadcast_in_dim3A_191 : vector<16xi1>, vector<16xf32>
        %add3A_193 = arith.addf %add3A_177, %select_n3A_192 : vector<16xf32>
        %scan3A_194 = arith.constant 2 : i32
        %scan3A_195 = arith.addi %scan3A_162, %scan3A_194 : i32
        %mul3A_196 = arith.constant 16 : i32
        %mul3A_197 = arith.muli %scan3A_195, %mul3A_196 : i32
        %get3A_198 = arith.index_cast %add3A_108 : i32 to index
        %get3A_199 = arith.index_cast %mul3A_197 : i32 to index
        %get3A_200 = tpu.vector_load %arg5[%get3A_198, %get3A_199] {strides = array<i32>} : memref<128x208xi32, #tpu.memory_space<vmem>>, vector<16xi32>,
        %ne3A_201 = arith.constant 0 : i32
        %ne3A_202 = vector.broadcast %ne3A_201 : i32 to vector<16xi32>
        %ne3A_203 = arith.cmpi ne, %get3A_200, %ne3A_202 : vector<16xi32>
        %jit3A_204 = arith.constant 1.000000e+00 : f32
        %jit3A_205 = arith.constant 0.000000e+00 : f32
        %broadcast_in_dim3A_206 = vector.broadcast %jit3A_204 : f32 to vector<16xf32>
        %broadcast_in_dim3A_207 = vector.broadcast %jit3A_205 : f32 to vector<16xf32>
        %select_n3A_208 = arith.select %ne3A_203, %broadcast_in_dim3A_206, %broadcast_in_dim3A_207 : vector<16xi1>, vector<16xf32>
        %add3A_209 = arith.addf %add3A_193, %select_n3A_208 : vector<16xf32>
        %scan3A_210 = arith.constant 3 : i32
        %scan3A_211 = arith.addi %scan3A_162, %scan3A_210 : i32
        %mul3A_212 = arith.constant 16 : i32
        %mul3A_213 = arith.muli %scan3A_211, %mul3A_212 : i32
        %get3A_214 = arith.index_cast %add3A_108 : i32 to index
        %get3A_215 = arith.index_cast %mul3A_213 : i32 to index
        %get3A_216 = tpu.vector_load %arg5[%get3A_214, %get3A_215] {strides = array<i32>} : memref<128x208xi32, #tpu.memory_space<vmem>>, vector<16xi32>,
        %ne3A_217 = arith.constant 0 : i32
        %ne3A_218 = vector.broadcast %ne3A_217 : i32 to vector<16xi32>
        %ne3A_219 = arith.cmpi ne, %get3A_216, %ne3A_218 : vector<16xi32>
        %jit3A_220 = arith.constant 1.000000e+00 : f32
        %jit3A_221 = arith.constant 0.000000e+00 : f32
        %broadcast_in_dim3A_222 = vector.broadcast %jit3A_220 : f32 to vector<16xf32>
        %broadcast_in_dim3A_223 = vector.broadcast %jit3A_221 : f32 to vector<16xf32>
        %select_n3A_224 = arith.select %ne3A_219, %broadcast_in_dim3A_222, %broadcast_in_dim3A_223 : vector<16xi1>, vector<16xf32>
        %add3A_225 = arith.addf %add3A_209, %select_n3A_224 : vector<16xf32>
        scf.yield %add3A_225 : vector<16xf32>
      }
      %scan3A_116 = arith.constant 12 : i32
      %get3A_117 = arith.index_cast %add3A_108 : i32 to index
      %get3A_118 = arith.constant 192 : index
      %get3A_119 = tpu.vector_load %arg5[%get3A_117, %get3A_118] {strides = array<i32>} : memref<128x208xi32, #tpu.memory_space<vmem>>, vector<16xi32>,
      %ne3A_120 = arith.constant 0 : i32
      %ne3A_121 = vector.broadcast %ne3A_120 : i32 to vector<16xi32>
      %ne3A_122 = arith.cmpi ne, %get3A_119, %ne3A_121 : vector<16xi32>
      %lt3A_123 = arith.constant 8 : i32
      %lt3A_124 = vector.broadcast %lt3A_123 : i32 to vector<16xi32>
      %lt3A_125 = arith.cmpi slt, %iota3A, %lt3A_124 : vector<16xi32>
      %and3A_126 = arith.andi %ne3A_122, %lt3A_125 : vector<16xi1>
      %jit3A_127 = arith.constant 1.000000e+00 : f32
      %jit3A_128 = arith.constant 0.000000e+00 : f32
      %broadcast_in_dim3A_129 = vector.broadcast %jit3A_127 : f32 to vector<16xf32>
      %broadcast_in_dim3A_130 = vector.broadcast %jit3A_128 : f32 to vector<16xf32>
      %select_n3A_131 = arith.select %and3A_126, %broadcast_in_dim3A_129, %broadcast_in_dim3A_130 : vector<16xi1>, vector<16xf32>
      %add3A_132 = arith.addf %scan3A_115, %select_n3A_131 : vector<16xf32>
      %reduce_sum3A_133 = arith.constant true
      %reduce_sum3A_134 = vector.broadcast %reduce_sum3A_133 : i1 to vector<16xi1>
      %reduce_sum3A_135 = tpu.scan <sum>, %add3A_132 masked %reduce_sum3A_134 : vector<16xf32>, vector<16xi1> -> vector<16xf32>
      %reduce_sum3A_136 = vector.extract %reduce_sum3A_135[15] : f32 from vector<16xf32>
      %broadcast_in_dim3A_137 = vector.broadcast %reduce_sum3A_136 : f32 to vector<16xf32>
      %broadcast_in_dim3A_138 = arith.constant 0.000000e+00 : f32
      %broadcast_in_dim3A_139 = vector.broadcast %broadcast_in_dim3A_138 : f32 to vector<16xf32>
      %scan3A_140 = arith.constant 0 : i32
      %scan3A_141 = arith.constant 200 : i32
      %scan3A_142 = arith.addi %scan3A_140, %scan3A_141 : i32
      %scan3A_143 = arith.constant 8 : i32
      %scan3A_144:4 = scf.for %scan3A_162 = %scan3A_140 to %scan3A_142 step %scan3A_143 iter_args(%scan3A_163 = %broadcast_in_dim3A_139, %scan3A_164 = %broadcast_in_dim3A_139, %scan3A_165 = %broadcast_in_dim3A_139, %scan3A_166 = %broadcast_in_dim3A_139) -> (vector<16xf32>, vector<16xf32>, vector<16xf32>, vector<16xf32>)  : i32 {
        %get3A_167 = arith.index_cast %scan3A_162 : i32 to index
        %get3A_168 = arith.constant 0 : index
        %get3A_169 = tpu.vector_load %arg7[%get3A_167, %get3A_168] {strides = array<i32>} : memref<200x64xf32, #tpu.memory_space<vmem>>, vector<16xf32>,
        %add3A_170 = arith.addf %scan3A_163, %get3A_169 : vector<16xf32>
        %get3A_171 = arith.index_cast %scan3A_162 : i32 to index
        %get3A_172 = arith.constant 16 : index
        %get3A_173 = tpu.vector_load %arg7[%get3A_171, %get3A_172] {strides = array<i32>} : memref<200x64xf32, #tpu.memory_space<vmem>>, vector<16xf32>,
        %add3A_174 = arith.addf %scan3A_164, %get3A_173 : vector<16xf32>
        %get3A_175 = arith.index_cast %scan3A_162 : i32 to index
        %get3A_176 = arith.constant 32 : index
        %get3A_177 = tpu.vector_load %arg7[%get3A_175, %get3A_176] {strides = array<i32>} : memref<200x64xf32, #tpu.memory_space<vmem>>, vector<16xf32>,
        %add3A_178 = arith.addf %scan3A_165, %get3A_177 : vector<16xf32>
        %get3A_179 = arith.index_cast %scan3A_162 : i32 to index
        %get3A_180 = arith.constant 48 : index
        %get3A_181 = tpu.vector_load %arg7[%get3A_179, %get3A_180] {strides = array<i32>} : memref<200x64xf32, #tpu.memory_space<vmem>>, vector<16xf32>,
        %add3A_182 = arith.addf %scan3A_166, %get3A_181 : vector<16xf32>
        %scan3A_183 = arith.constant 1 : i32
        %scan3A_184 = arith.addi %scan3A_162, %scan3A_183 : i32
        %get3A_185 = arith.index_cast %scan3A_184 : i32 to index
        %get3A_186 = arith.constant 0 : index
        %get3A_187 = tpu.vector_load %arg7[%get3A_185, %get3A_186] {strides = array<i32>} : memref<200x64xf32, #tpu.memory_space<vmem>>, vector<16xf32>,
        %add3A_188 = arith.addf %add3A_170, %get3A_187 : vector<16xf32>
        %get3A_189 = arith.index_cast %scan3A_184 : i32 to index
        %get3A_190 = arith.constant 16 : index
        %get3A_191 = tpu.vector_load %arg7[%get3A_189, %get3A_190] {strides = array<i32>} : memref<200x64xf32, #tpu.memory_space<vmem>>, vector<16xf32>,
        %add3A_192 = arith.addf %add3A_174, %get3A_191 : vector<16xf32>
        %get3A_193 = arith.index_cast %scan3A_184 : i32 to index
        %get3A_194 = arith.constant 32 : index
        %get3A_195 = tpu.vector_load %arg7[%get3A_193, %get3A_194] {strides = array<i32>} : memref<200x64xf32, #tpu.memory_space<vmem>>, vector<16xf32>,
        %add3A_196 = arith.addf %add3A_178, %get3A_195 : vector<16xf32>
        %get3A_197 = arith.index_cast %scan3A_184 : i32 to index
        %get3A_198 = arith.constant 48 : index
        %get3A_199 = tpu.vector_load %arg7[%get3A_197, %get3A_198] {strides = array<i32>} : memref<200x64xf32, #tpu.memory_space<vmem>>, vector<16xf32>,
        %add3A_200 = arith.addf %add3A_182, %get3A_199 : vector<16xf32>
        %scan3A_201 = arith.constant 2 : i32
        %scan3A_202 = arith.addi %scan3A_162, %scan3A_201 : i32
        %get3A_203 = arith.index_cast %scan3A_202 : i32 to index
        %get3A_204 = arith.constant 0 : index
        %get3A_205 = tpu.vector_load %arg7[%get3A_203, %get3A_204] {strides = array<i32>} : memref<200x64xf32, #tpu.memory_space<vmem>>, vector<16xf32>,
        %add3A_206 = arith.addf %add3A_188, %get3A_205 : vector<16xf32>
        %get3A_207 = arith.index_cast %scan3A_202 : i32 to index
        %get3A_208 = arith.constant 16 : index
        %get3A_209 = tpu.vector_load %arg7[%get3A_207, %get3A_208] {strides = array<i32>} : memref<200x64xf32, #tpu.memory_space<vmem>>, vector<16xf32>,
        %add3A_210 = arith.addf %add3A_192, %get3A_209 : vector<16xf32>
        %get3A_211 = arith.index_cast %scan3A_202 : i32 to index
        %get3A_212 = arith.constant 32 : index
        %get3A_213 = tpu.vector_load %arg7[%get3A_211, %get3A_212] {strides = array<i32>} : memref<200x64xf32, #tpu.memory_space<vmem>>, vector<16xf32>,
        %add3A_214 = arith.addf %add3A_196, %get3A_213 : vector<16xf32>
        %get3A_215 = arith.index_cast %scan3A_202 : i32 to index
        %get3A_216 = arith.constant 48 : index
        %get3A_217 = tpu.vector_load %arg7[%get3A_215, %get3A_216] {strides = array<i32>} : memref<200x64xf32, #tpu.memory_space<vmem>>, vector<16xf32>,
        %add3A_218 = arith.addf %add3A_200, %get3A_217 : vector<16xf32>
        %scan3A_219 = arith.constant 3 : i32
        %scan3A_220 = arith.addi %scan3A_162, %scan3A_219 : i32
        %get3A_221 = arith.index_cast %scan3A_220 : i32 to index
        %get3A_222 = arith.constant 0 : index
        %get3A_223 = tpu.vector_load %arg7[%get3A_221, %get3A_222] {strides = array<i32>} : memref<200x64xf32, #tpu.memory_space<vmem>>, vector<16xf32>,
        %add3A_224 = arith.addf %add3A_206, %get3A_223 : vector<16xf32>
        %get3A_225 = arith.index_cast %scan3A_220 : i32 to index
        %get3A_226 = arith.constant 16 : index
        %get3A_227 = tpu.vector_load %arg7[%get3A_225, %get3A_226] {strides = array<i32>} : memref<200x64xf32, #tpu.memory_space<vmem>>, vector<16xf32>,
        %add3A_228 = arith.addf %add3A_210, %get3A_227 : vector<16xf32>
        %get3A_229 = arith.index_cast %scan3A_220 : i32 to index
        %get3A_230 = arith.constant 32 : index
        %get3A_231 = tpu.vector_load %arg7[%get3A_229, %get3A_230] {strides = array<i32>} : memref<200x64xf32, #tpu.memory_space<vmem>>, vector<16xf32>,
        %add3A_232 = arith.addf %add3A_214, %get3A_231 : vector<16xf32>
        %get3A_233 = arith.index_cast %scan3A_220 : i32 to index
        %get3A_234 = arith.constant 48 : index
        %get3A_235 = tpu.vector_load %arg7[%get3A_233, %get3A_234] {strides = array<i32>} : memref<200x64xf32, #tpu.memory_space<vmem>>, vector<16xf32>,
        %add3A_236 = arith.addf %add3A_218, %get3A_235 : vector<16xf32>
        %scan3A_237 = arith.constant 4 : i32
        %scan3A_238 = arith.addi %scan3A_162, %scan3A_237 : i32
        %get3A_239 = arith.index_cast %scan3A_238 : i32 to index
        %get3A_240 = arith.constant 0 : index
        %get3A_241 = tpu.vector_load %arg7[%get3A_239, %get3A_240] {strides = array<i32>} : memref<200x64xf32, #tpu.memory_space<vmem>>, vector<16xf32>,
        %add3A_242 = arith.addf %add3A_224, %get3A_241 : vector<16xf32>
        %get3A_243 = arith.index_cast %scan3A_238 : i32 to index
        %get3A_244 = arith.constant 16 : index
        %get3A_245 = tpu.vector_load %arg7[%get3A_243, %get3A_244] {strides = array<i32>} : memref<200x64xf32, #tpu.memory_space<vmem>>, vector<16xf32>,
        %add3A_246 = arith.addf %add3A_228, %get3A_245 : vector<16xf32>
        %get3A_247 = arith.index_cast %scan3A_238 : i32 to index
        %get3A_248 = arith.constant 32 : index
        %get3A_249 = tpu.vector_load %arg7[%get3A_247, %get3A_248] {strides = array<i32>} : memref<200x64xf32, #tpu.memory_space<vmem>>, vector<16xf32>,
        %add3A_250 = arith.addf %add3A_232, %get3A_249 : vector<16xf32>
        %get3A_251 = arith.index_cast %scan3A_238 : i32 to index
        %get3A_252 = arith.constant 48 : index
        %get3A_253 = tpu.vector_load %arg7[%get3A_251, %get3A_252] {strides = array<i32>} : memref<200x64xf32, #tpu.memory_space<vmem>>, vector<16xf32>,
        %add3A_254 = arith.addf %add3A_236, %get3A_253 : vector<16xf32>
        %scan3A_255 = arith.constant 5 : i32
        %scan3A_256 = arith.addi %scan3A_162, %scan3A_255 : i32
        %get3A_257 = arith.index_cast %scan3A_256 : i32 to index
        %get3A_258 = arith.constant 0 : index
        %get3A_259 = tpu.vector_load %arg7[%get3A_257, %get3A_258] {strides = array<i32>} : memref<200x64xf32, #tpu.memory_space<vmem>>, vector<16xf32>,
        %add3A_260 = arith.addf %add3A_242, %get3A_259 : vector<16xf32>
        %get3A_261 = arith.index_cast %scan3A_256 : i32 to index
        %get3A_262 = arith.constant 16 : index
        %get3A_263 = tpu.vector_load %arg7[%get3A_261, %get3A_262] {strides = array<i32>} : memref<200x64xf32, #tpu.memory_space<vmem>>, vector<16xf32>,
        %add3A_264 = arith.addf %add3A_246, %get3A_263 : vector<16xf32>
        %get3A_265 = arith.index_cast %scan3A_256 : i32 to index
        %get3A_266 = arith.constant 32 : index
        %get3A_267 = tpu.vector_load %arg7[%get3A_265, %get3A_266] {strides = array<i32>} : memref<200x64xf32, #tpu.memory_space<vmem>>, vector<16xf32>,
        %add3A_268 = arith.addf %add3A_250, %get3A_267 : vector<16xf32>
        %get3A_269 = arith.index_cast %scan3A_256 : i32 to index
        %get3A_270 = arith.constant 48 : index
        %get3A_271 = tpu.vector_load %arg7[%get3A_269, %get3A_270] {strides = array<i32>} : memref<200x64xf32, #tpu.memory_space<vmem>>, vector<16xf32>,
        %add3A_272 = arith.addf %add3A_254, %get3A_271 : vector<16xf32>
        %scan3A_273 = arith.constant 6 : i32
        %scan3A_274 = arith.addi %scan3A_162, %scan3A_273 : i32
        %get3A_275 = arith.index_cast %scan3A_274 : i32 to index
        %get3A_276 = arith.constant 0 : index
        %get3A_277 = tpu.vector_load %arg7[%get3A_275, %get3A_276] {strides = array<i32>} : memref<200x64xf32, #tpu.memory_space<vmem>>, vector<16xf32>,
        %add3A_278 = arith.addf %add3A_260, %get3A_277 : vector<16xf32>
        %get3A_279 = arith.index_cast %scan3A_274 : i32 to index
        %get3A_280 = arith.constant 16 : index
        %get3A_281 = tpu.vector_load %arg7[%get3A_279, %get3A_280] {strides = array<i32>} : memref<200x64xf32, #tpu.memory_space<vmem>>, vector<16xf32>,
        %add3A_282 = arith.addf %add3A_264, %get3A_281 : vector<16xf32>
        %get3A_283 = arith.index_cast %scan3A_274 : i32 to index
        %get3A_284 = arith.constant 32 : index
        %get3A_285 = tpu.vector_load %arg7[%get3A_283, %get3A_284] {strides = array<i32>} : memref<200x64xf32, #tpu.memory_space<vmem>>, vector<16xf32>,
        %add3A_286 = arith.addf %add3A_268, %get3A_285 : vector<16xf32>
        %get3A_287 = arith.index_cast %scan3A_274 : i32 to index
        %get3A_288 = arith.constant 48 : index
        %get3A_289 = tpu.vector_load %arg7[%get3A_287, %get3A_288] {strides = array<i32>} : memref<200x64xf32, #tpu.memory_space<vmem>>, vector<16xf32>,
        %add3A_290 = arith.addf %add3A_272, %get3A_289 : vector<16xf32>
        %scan3A_291 = arith.constant 7 : i32
        %scan3A_292 = arith.addi %scan3A_162, %scan3A_291 : i32
        %get3A_293 = arith.index_cast %scan3A_292 : i32 to index
        %get3A_294 = arith.constant 0 : index
        %get3A_295 = tpu.vector_load %arg7[%get3A_293, %get3A_294] {strides = array<i32>} : memref<200x64xf32, #tpu.memory_space<vmem>>, vector<16xf32>,
        %add3A_296 = arith.addf %add3A_278, %get3A_295 : vector<16xf32>
        %get3A_297 = arith.index_cast %scan3A_292 : i32 to index
        %get3A_298 = arith.constant 16 : index
        %get3A_299 = tpu.vector_load %arg7[%get3A_297, %get3A_298] {strides = array<i32>} : memref<200x64xf32, #tpu.memory_space<vmem>>, vector<16xf32>,
        %add3A_300 = arith.addf %add3A_282, %get3A_299 : vector<16xf32>
        %get3A_301 = arith.index_cast %scan3A_292 : i32 to index
        %get3A_302 = arith.constant 32 : index
        %get3A_303 = tpu.vector_load %arg7[%get3A_301, %get3A_302] {strides = array<i32>} : memref<200x64xf32, #tpu.memory_space<vmem>>, vector<16xf32>,
        %add3A_304 = arith.addf %add3A_286, %get3A_303 : vector<16xf32>
        %get3A_305 = arith.index_cast %scan3A_292 : i32 to index
        %get3A_306 = arith.constant 48 : index
        %get3A_307 = tpu.vector_load %arg7[%get3A_305, %get3A_306] {strides = array<i32>} : memref<200x64xf32, #tpu.memory_space<vmem>>, vector<16xf32>,
        %add3A_308 = arith.addf %add3A_290, %get3A_307 : vector<16xf32>
        scf.yield %add3A_296, %add3A_300, %add3A_304, %add3A_308 : vector<16xf32>, vector<16xf32>, vector<16xf32>, vector<16xf32>
      }
      %scan3A_145 = arith.constant 200 : i32
      %div3A_146 = arith.divf %scan3A_144#0, %broadcast_in_dim3A_137 : vector<16xf32>
      %swap3A_147 = arith.index_cast %add3A_108 : i32 to index
      %swap3A_148 = arith.constant 0 : index
      %swap3A_149 = tpu.vector_load %arg8[%swap3A_147, %swap3A_148] {strides = array<i32>} : memref<128x64xf32, #tpu.memory_space<vmem>>, vector<16xf32>,
      tpu.vector_store %arg8[%swap3A_147, %swap3A_148], %div3A_146 {strides = array<i32>} : memref<128x64xf32, #tpu.memory_space<vmem>>, vector<16xf32>,
      %div3A_150 = arith.divf %scan3A_144#1, %broadcast_in_dim3A_137 : vector<16xf32>
      %swap3A_151 = arith.index_cast %add3A_108 : i32 to index
      %swap3A_152 = arith.constant 16 : index
      %swap3A_153 = tpu.vector_load %arg8[%swap3A_151, %swap3A_152] {strides = array<i32>} : memref<128x64xf32, #tpu.memory_space<vmem>>, vector<16xf32>,
      tpu.vector_store %arg8[%swap3A_151, %swap3A_152], %div3A_150 {strides = array<i32>} : memref<128x64xf32, #tpu.memory_space<vmem>>, vector<16xf32>,
      %div3A_154 = arith.divf %scan3A_144#2, %broadcast_in_dim3A_137 : vector<16xf32>
      %swap3A_155 = arith.index_cast %add3A_108 : i32 to index
      %swap3A_156 = arith.constant 32 : index
      %swap3A_157 = tpu.vector_load %arg8[%swap3A_155, %swap3A_156] {strides = array<i32>} : memref<128x64xf32, #tpu.memory_space<vmem>>, vector<16xf32>,
      tpu.vector_store %arg8[%swap3A_155, %swap3A_156], %div3A_154 {strides = array<i32>} : memref<128x64xf32, #tpu.memory_space<vmem>>, vector<16xf32>,
      %div3A_158 = arith.divf %scan3A_144#3, %broadcast_in_dim3A_137 : vector<16xf32>
      %swap3A_159 = arith.index_cast %add3A_108 : i32 to index
      %swap3A_160 = arith.constant 48 : index
      %swap3A_161 = tpu.vector_load %arg8[%swap3A_159, %swap3A_160] {strides = array<i32>} : memref<128x64xf32, #tpu.memory_space<vmem>>, vector<16xf32>,
      tpu.vector_store %arg8[%swap3A_159, %swap3A_160], %div3A_158 {strides = array<i32>} : memref<128x64xf32, #tpu.memory_space<vmem>>, vector<16xf32>,
    }
    %scan3A_26 = arith.constant 64 : i32
    "tpu.region"() ({
      %run_scoped3A = tpu.sem_alloc : memref<!tpu.dma_semaphore, #tpu.memory_space<semaphore_mem>>
      %dma_start3A_27 = arith.constant 0 : i32
      %dma_start3A_28 = tpu.memref_slice %arg4[%mul3A_2, %dma_start3A_27] : memref<4096x64xf32, #tpu.memory_space<hbm>> -> memref<128x64xf32, #tpu.memory_space<hbm>>
      %dma_start3A_29 = arith.constant 0 : i32
      %dma_start3A_30 = tpu.memref_slice %arg4[%mul3A_2, %dma_start3A_29] : memref<4096x64xf32, #tpu.memory_space<hbm>> -> memref<128x64xf32, #tpu.memory_space<hbm>>
      tpu.enqueue_dma source(%arg8 : memref<128x64xf32, #tpu.memory_space<vmem>>) target(%dma_start3A_30 : memref<128x64xf32, #tpu.memory_space<hbm>>) target_semaphore(%run_scoped3A : memref<!tpu.dma_semaphore, #tpu.memory_space<semaphore_mem>>)
      %dma_wait3A = arith.constant 0 : i32
      %dma_wait3A_31 = tpu.memref_slice %arg4[%mul3A_2, %dma_wait3A] : memref<4096x64xf32, #tpu.memory_space<hbm>> -> memref<128x64xf32, #tpu.memory_space<hbm>>
      %dma_wait3A_32 = arith.constant 0 : i32
      %dma_wait3A_33 = tpu.memref_slice %arg4[%mul3A_2, %dma_wait3A_32] : memref<4096x64xf32, #tpu.memory_space<hbm>> -> memref<128x64xf32, #tpu.memory_space<hbm>>
      tpu.wait_dma2 semaphore(%run_scoped3A : memref<!tpu.dma_semaphore, #tpu.memory_space<semaphore_mem>>) src(%arg8 : memref<128x64xf32, #tpu.memory_space<vmem>>) dst(%dma_wait3A_33 : memref<128x64xf32, #tpu.memory_space<hbm>>)
      tpu.yield
    }) : () -> ()
    return
  }
}

</mosaic_0001>

<sc_bundles>
// kernel: kernel.3.cloned.1.call-start
scs
__scs_entry_jumppad:
0x0: {  	(pc) =	sbr.rel $0x88, $3  }
0x1: {  	(tag) =	ssettag $0x0;
	lr =	simm.s32 $0x1  }
0x2: {  	[smem:$0x3F9F] =	sst lr;
	_ =	strace $0xD0000000  }
0x3: {  	_ = 	snop  }
0x4: {  	_ = 	snop  }
0x5: {  	_ = 	snop  }
0x6: {  	_ = 	snop  }
0x7: {  	_ = 	snop  }
__scs_overlays_trampoline_lowered:
0x8: {  	[smem:$0x3FAE] =	sst s0  }
0x9: {  	[smem:$0x3FAF] =	sst s1  }
0xa: {  	[smem:$0x3FB0] =	sst s2  }
0xb: {  	[smem:$0x3FB1] =	sst s3  }
0xc: {  	[smem:$0x3FB2] =	sst s4  }
0xd: {  	[smem:$0x3FB3] =	sst s5  }
0xe: {  	[smem:$0x3FB4] =	sst s6  }
0xf: {  	[smem:$0x3FB5] =	sst s7  }
0x10: {  	[smem:$0x3FB6] =	sst s8  }
0x11: {  	[smem:$0x3FB7] =	sst s9;
	s0 =	simm.s32 @!p0 $0x0  }
0x12: {  	s1 =	sld [smem:$0x3F9D];
	s0 =	simm.s32 @p0 $0x1  }
0x13: {  	[smem:$0x3FB8] =	sst s0;
	s0 =	simm.s32 @!p1 $0x0  }
0x14: {  	s2 =	sld [smem:$0x3F9C];
	s0 =	simm.s32 @p1 $0x1  }
0x15: {  	[smem:$0x3FB9] =	sst s0;
	s0 =	simm.s32 @!p2 $0x0  }
0x16: {  	s3 =	sld [smem:$0x3FDB];
	s0 =	simm.s32 @p2 $0x1  }
0x17: {  	s4 =	simm.s32 $0x1BF5;
	[smem:$0x3FBB] =	sst s0  }
0x18: {  	s0 =	sld [smem:$0x3F9E];
	_ =	swait.ge [sflag:s4], $0x0  }
0x19: {  	s7 =	sld [smem:$0x3F9F]  }
0x1a: {  	s8 =	sadd.s32 $0xFFFFE003, lr  }
0x1b: {  	s9 =	sadd.s32 $0xFFFFFEF7, lr;
	s5 =	simm.s32 $0xFFFFFFFF;
	p2 =	slt.u32 s8, $0xFFFFF086  }
0x1c: {  	p1 =	slt.u32 s9, $0xF7A;
	s5 =	simm.s32 @!p2 $0x0  }
0x1d: {  	s5 =	simm.s32 @p1 $0x1;
	p0 =	seq.s32 s7, s2  }
0x1e: {  	s7 =	smul.u32 @!p0 $0xF7A, s2;
	p2 =	seq.s32 @!p0 s5, $0x0  }
0x1f: {  	s9 =	smul.u32 $0xF7A, s1;
	s8 =	simm.s32 @!p0 $0x1BF5;
	p2 =	por !p2, p0  }
0x20: {  	[sflag:s8] =	ssyncset.s32 @!p0 $0xFFFFF086;
	s6 =	sadd.s32 @!p0 s3, s7;
	s7 =	simm.s32 @!p0 $0x108  }
0x21: {  	s3 =	sadd.s32 s3, s9;
	s6 =	sadd.s32 @!p0 $0x88, s6;
	s7 =	simm.s32 @p2 $0x1082  }
0x22: {  	[simem:s7], [sflag:s8] =	dma.local @!p0 [hbm:s6], $0xF7A  }
0x23: {  	s9 =	sor.u32 $0xD0000000, s2;
	s6 =	simm.s32 $0x108;
	_ =	swait.ge @!p0 [sflag:s8], $0x0  }
0x24: {  	s3 =	sadd.s32 $0x88, s3;
	s6 =	simm.s32 @!p1 $0x1082;
	[sflag:s4] =	ssyncset.s32 $0xFFFFF086  }
0x25: {  	[simem:s6], [sflag:s4] =	dma.local [hbm:s3], $0xF7A  }
0x26: {  	[smem:$0x3F9F] =	sst s1;
	(tag) =	ssettag s2;
	_ =	strace s9  }
0x27: {  	s1 =	sld [smem:$0x3FAF]  }
0x28: {  	s2 =	sld [smem:$0x3FB0]  }
0x29: {  	s4 =	sld [smem:$0x3FB2]  }
0x2a: {  	p0 =	seq.s32 s5, $0x0;
	s5 =	sld [smem:$0x3FB3]  }
0x2b: {  	s6 =	sld [smem:$0x3FB4]  }
0x2c: {  	s7 =	sld [smem:$0x3FB5]  }
0x2d: {  	s3 =	simm.s32 $0x108;
	s8 =	sld [smem:$0x3FB6]  }
0x2e: {  	s3 =	simm.s32 @!p0 $0x1082;
	s9 =	sld [smem:$0x3FB7]  }
0x2f: {  	lr =	sadd.s32 s0, s3;
	s0 =	sld [smem:$0x3FAE]  }
0x30: {  	s3 =	sld [smem:$0x3FB1]  }
0x31: {  	[smem:$0x3FBA] =	sst s10  }
0x32: {  	s10 =	sld [smem:$0x3FB8];
	_ =	sdelay $0x3  }
0x33: {  	p0 =	seq.s32 s10, $0x1;
	s10 =	sld [smem:$0x3FBA];
	_ =	sdelay $0x3  }
0x34: {  	[smem:$0x3FBA] =	sst s10  }
0x35: {  	s10 =	sld [smem:$0x3FB9];
	_ =	sdelay $0x3  }
0x36: {  	p1 =	seq.s32 s10, $0x1;
	s10 =	sld [smem:$0x3FBA];
	_ =	sdelay $0x3  }
0x37: {  	[smem:$0x3FBA] =	sst s10  }
0x38: {  	s10 =	sld [smem:$0x3FBB]  }
0x39: {  	_ = 	snop;
	(pc) =	sbr.ind lr, $3  }
0x3a: {  	_ = 	snop  }
0x3b: {  	_ = 	snop  }
0x3c: {  	p2 =	seq.s32 s10, $0x1;
	s10 =	sld [smem:$0x3FBA]  }
0x3d: {  	_ =	shalt  }
0x3e: {  	_ =	shalt  }
0x3f: {  	_ =	shalt  }
0x40: {  	_ =	shalt  }
0x41: {  	_ =	shalt  }
0x42: {  	_ =	shalt  }
0x43: {  	_ =	shalt  }
0x44: {  	_ =	shalt  }
0x45: {  	_ =	shalt  }
0x46: {  	_ =	shalt  }
0x47: {  	_ =	shalt  }
0x48: {  	_ =	shalt  }
0x49: {  	_ =	shalt  }
0x4a: {  	_ =	shalt  }
0x4b: {  	_ =	shalt  }
0x4c: {  	_ =	shalt  }
0x4d: {  	_ =	shalt  }
0x4e: {  	_ =	shalt  }
0x4f: {  	_ =	shalt  }
0x50: {  	_ =	shalt  }
0x51: {  	_ =	shalt  }
0x52: {  	_ =	shalt  }
0x53: {  	_ =	shalt  }
0x54: {  	_ =	shalt  }
0x55: {  	_ =	shalt  }
0x56: {  	_ =	shalt  }
0x57: {  	_ =	shalt  }
0x58: {  	_ =	shalt  }
0x59: {  	_ =	shalt  }
0x5a: {  	_ =	shalt  }
0x5b: {  	_ =	shalt  }
0x5c: {  	_ =	shalt  }
0x5d: {  	_ =	shalt  }
0x5e: {  	_ =	shalt  }
0x5f: {  	_ =	shalt  }
0x60: {  	_ =	shalt  }
0x61: {  	_ =	shalt  }
0x62: {  	_ =	shalt  }
0x63: {  	_ =	shalt  }
0x64: {  	_ =	shalt  }
0x65: {  	_ =	shalt  }
0x66: {  	_ =	shalt  }
0x67: {  	_ =	shalt  }
0x68: {  	_ =	shalt  }
0x69: {  	_ =	shalt  }
0x6a: {  	_ =	shalt  }
0x6b: {  	_ =	shalt  }
0x6c: {  	_ =	shalt  }
0x6d: {  	_ =	shalt  }
0x6e: {  	_ =	shalt  }
0x6f: {  	_ =	shalt  }
0x70: {  	_ =	shalt  }
0x71: {  	_ =	shalt  }
0x72: {  	_ =	shalt  }
0x73: {  	_ =	shalt  }
0x74: {  	_ =	shalt  }
0x75: {  	_ =	shalt  }
0x76: {  	_ =	shalt  }
0x77: {  	_ =	shalt  }
0x78: {  	_ =	shalt  }
0x79: {  	_ =	shalt  }
0x7a: {  	_ =	shalt  }
0x7b: {  	_ =	shalt  }
0x7c: {  	_ =	shalt  }
0x7d: {  	_ =	shalt  }
0x7e: {  	_ =	shalt  }
0x7f: {  	_ =	shalt  }
0x80: {  	_ =	shalt  }
0x81: {  	_ =	shalt  }
0x82: {  	_ =	shalt  }
0x83: {  	_ =	shalt  }
0x84: {  	_ =	shalt  }
0x85: {  	_ =	shalt  }
0x86: {  	_ =	shalt  }
0x87: {  	_ =	shalt  }
.Lfunc_end0:
.L_simem_size_0:
called_computation_lowered:
.L_overlay_start_0:
0x88: {  	s2 =	sld [smem:$0x3FD9]  }
0x89: {  	s3 =	sld [smem:$0x3FFE];
	_ =	sdelay $0x1  }
0x8a: {  	s1 =	srdreg.scid  }
0x8b: {  	s0 =	sand.u32 $0x1, s1  }
0x8c: {  	s17 =	sshll.u32 s0, $0xA;
	s2 =	sadd.s32 s3, s2  }
0x8d: {  	s2 =	sadd.s32 s2, s17  }
0x8e: {  	[smem:$0x3FC6] =	sst s2  }
0x8f: {  	_ = 	snop  }
0x90: {  	s2 =	sld [smem:$0x3FD0];
	(tm) =	ssettm $0x1  }
0x91: {  	s18 =	sld [smem:$0x3FFB];
	_ =	sdelay $0x3  }
0x92: {  	_ =	strace s18  }
0x93: {  	s3 =	sld [smem:$0x3FFC];
	_ =	sdelay $0x3  }
0x94: {  	_ =	strace s3  }
0x95: {  	s3 =	sld [smem:$0x3FFD];
	_ =	sdelay $0x3  }
0x96: {  	_ =	strace s3  }
0x97: {  	_ =	strace $0x8FFFFFFF  }
0x98: {  	s19 =	sld [smem:$0x3FDB];
	_ =	sdelay $0x1  }
0x99: {  	s4 =	simm.s32 $_scs_section_size  }
0x9a: {  	s5 =	simm.s32 $_size__tile_overlayer_lowered;
	s6 =	simm.s32 $_tile_overlayer_lowered  }
0x9b: {  	s22 =	simm.s32 $0x1BFF;
	s21 =	sshll.u32 s6, $0x1;
	s3 =	sadd.s32 s4, s19  }
0x9c: {  	s7 =	simm.s32 $0x0;
	s20 =	sshll.u32 s5, $0x1;
	s5 =	sadd.s32 s21, s3  }
0x9d: {  	[timem:s7], [sflag:s22] =	dma.local [hbm:s5], s20  }
0x9e: {  	_ =	swait.ge [sflag:s22], s20  }
0x9f: {  	s4 =	ssub.s32 $0x0, s20;
	[sflag:s22] =	ssyncset.done $0x0  }
0xa0: {  	[sflag:s22] =	ssyncadd.s32 s4;
	_ =	sdelay $0x1  }
0xa1: {  	s23 =	simm.s32 $0x1B8B  }
0xa2: {  	_ =	swait.ge [sflag:s23], $0x1  }
0xa3: {  	[sflag:s23] =	ssyncset.done $0x0  }
0xa4: {  	s25 =	simm.s32 $0x1B8E;
	s24 =	sld [smem:$0x3FFE];
	[sflag:s23] =	ssyncadd.s32 $0xFFFFFFFF  }
0xa5: {  	s26 =	simm.s32 $execute0_lowered;
	[smem:$0x3FD2] =	sst s25  }
0xa6: {  	s5 =	sshll.u32 s26, $0x1;
	_ =	strace $0x80000046;
	[dreg:$0x1] =	wrdreg $0xFFFFFFFF  }
0xa7: {  	s28 =	simm.s32 $_size_execute0_lowered;
	s3 =	sadd.s32 s3, s5;
	[dreg:$0x0] =	wrdreg $0x0  }
0xa8: {  	s5 =	sshll.u32 s28, $0x1;
	[dreg:$0x2] =	wrdreg s3  }
0xa9: {  	[dreg:$0x3] =	wrdreg s5  }
0xaa: {  	[dreg:$0x4] =	wrdreg $0xC0  }
0xab: {  	_ =	task [dreg:s7], $0x5FFFF  }
0xac: {  	[dreg:$0x1] =	wrdreg $0xFFFFFFFF  }
0xad: {  	[dreg:$0x0] =	wrdreg $0x60  }
0xae: {  	[dreg:$0x2] =	wrdreg s24  }
0xaf: {  	[dreg:$0x3] =	wrdreg s2  }
0xb0: {  	[dreg:$0x4] =	wrdreg $0x9  }
0xb1: {  	_ =	task.clear_ibuf [dreg:s7], $0x5FFFF;
	_ =	strace $0x90000046  }
0xb2: {  	s29 =	simm.s32 $0x9;
	_ =	strace $0x80000048  }
0xb3: {  	_ =	swait.ge [sflag:s29], $0x1  }
0xb4: {  	[sflag:s29] =	ssyncadd.s32 $0xFFFFFFFF  }
0xb5: {  	_ =	strace $0x90000048  }
0xb6: {  	_ =	sfence  }
0xb7: {  	s30 =	sld [smem:$0x0];
	_ =	sdelay $0x2  }
0xb8: {  	s31 =	sshll.u32 s1, $0xD;
	s1 =	sshrl.u32 s1, $0x2  }
0xb9: {  	s3 =	sand.u32 $0x4000, s31;
	s1 =	sadd.s32 s1, s30  }
0xba: {  	s0 =	sor.u32 s3, s0;
	s1 =	sshll.u32 s1, $0x11  }
0xbb: {  	s0 =	sor.u32 s1, s0  }
0xbc: {  	s0 =	sadd.s32 $0x8F2B, s0  }
0xbd: {  	[sflag:s0] =	ssyncadd.remote.s32 $0x1  }
0xbe: {  	_ =	sfence.sel $0xFFFF  }
0xbf: {  	[dreg:$0x0] =	wrdreg $0xFFFFFFFF;
	(pc) =	sbr.abs _section_cstart, $3  }
0xc0: {  	[dreg:$0x1] =	wrdreg $0xFFFFFFFF  }
0xc1: {  	_ =	task.clear_ibuf [dreg:s7], $0x2FFFF;
	_ =	strace $0x9FFFFFFF  }
0xc2: {  	(tm) =	ssettm $0x7FFFFFFF  }
0xc3: {  	_ =	shalt  }
tec
execute0_lowered:
.L_overlay_start_1:
0x0: {  	(tag) =	ssettag $0x1  }
0x1: {  	s1 =	srdreg.scid  }
0x2: {  	s0 =	stileid.u32;
	s4 =	rddreg [dreg:$0x0]  }
0x3: {  	s5 =	rddreg [dreg:$0x1];
	s9 =	simm.s32 $0x6800;
	s10 =	simm.s32 $0x48  }
0x4: {  	s11 =	simm.s32 $0x8800;
	s12 =	simm.s32 $0x9A00;
	s13 =	simm.s32 $0xBA00  }
0x5: {  	s14 =	simm.s32 $0x1;
	s15 =	simm.s32 $0x2;
	s16 =	simm.s32 $0xCC00  }
0x6: {  	s17 =	simm.s32 $0x0;
	s3 =	sand.u32 $0x1, s1;
	s30 =	sshll.u32 s0, $0x8  }
0x7: {  	s1 =	rddreg [dreg:$0x2];
	s2 =	sshll.u32 s3, $0x7;
	s8 =	ssub.s32 $0x2, s3  }
0x8: {  	s3 =	sadd.s32 $0x187200, s4;
	s6 =	sor.u32 s2, s30;
	s2 =	simm.s32 $0x0  }
0x9: {  	s31 =	sshrl.u32 s8, $0x1;
	s7 =	smul.u32 $0x19, s6;
	[smem:$0x7FF] =	sst s2  }
0xa: {  	s6 =	sshll.u32 s6, $0x3;
	s8 =	ssub.s32 s8, s31;
	_ =	strace $0x80000047  }
0xb: {  	v1 =	vimm.f32 $0.0e+00;
	vm0 =	vcmask $0x1F00;
	s5 =	sadd.s32 s5, s6;
	s6 =	smax.u32 s8, $0x1;
	s7 =	sadd.s32 s7, s4  }
0xc: {  	v0 =	vimm.f32 $1.000000000e+00;
	v1 =	vsel vm0, $0x3F800000, v1;
	s8 =	simm.s32 $0x80;
	s4 =	sadd.s32 $0x600, s7;
	s7 =	simm.s32 $0x3  }
.LBB2_1:
0xd: {  	s18 =	simm.s32 $0x19  }
0xe: {  	s21 =	sadd.s32 $0x0, s4;
	s19 =	simm.s32 $0xD0;
	s20 =	simm.s32 $0x0  }
.LBB2_2:
0xf: {  	[tilespmem:s20], [sflag:$0x3] =	stream.linear.gather [hbm4b:s21+s2], $0xC8, $0x38;
	[tilespmem:$0xEC00] =	vst v63  }
0x10: {  	s21 =	smov.u32 s18;
	s20 =	smov.u32 s19;
	p0 =	sne.s32 s18, $0xC67  }
.Ltmp0:
0x11: {  	s18 =	sadd.s32 $0x19, s18;
	(pc) =	sbr.rel @p0 .LBB2_2-.Ltmp0, $2  }
0x12: {  	_ =	sdelay $0x2  }
0x13: {  	s19 =	sadd.s32 $0xD0, s19;
	s21 =	sadd.s32 s21, s4  }
0x14: {  	[tilespmem:s20], [sflag:$0x3] =	stream.linear.gather [hbm4b:s21+s2], $0xC8, $0x38;
	[tilespmem:$0xEC00] =	vst v63  }
0x15: {  	_ =	swait.ge [sflag:s7], $0x6400  }
0x16: {  	[sflag:s7] =	ssyncset.done $0x0  }
0x17: {  	s18 =	simm.s32 $0x0;
	[sflag:s7] =	ssyncadd.s32 $0xFFFF9C00  }
0x18: {  	[tilespmem:s9], [sflag:$0x1] =	stream.indirect.gather [hbm4b:s3+s8], $0x40, s18, s8, $0xb8;
	[tilespmem:$0xEC00] =	vst v63  }
0x19: {  	_ = 	snop  }
0x1a: {  	[tilespmem:s11], [sflag:$0x1] =	stream.indirect.gather [hbm4b:s3+s10], $0x40, s8, s10, $0xb8;
	[tilespmem:$0xEC00] =	vst v63  }
.LBB2_4:
0x1b: {  	s19 =	sshllo.u32 s18, $0x1  }
0x1c: {  	s20 =	smul.u32 $0x340, s19;
	_ =	sdelay $0x1  }
0x1d: {  	s20 =	sshra.s32 s20, $0x2  }
0x1e: {  	[tilespmem:s12], [sflag:$0x2] =	stream.indirect.gather [hbm4b:s3+s8], $0x40, s20, s8, $0xb8;
	[tilespmem:$0xEC00] =	vst v63  }
0x1f: {  	s21 =	sadd.s32 $0x80, s20  }
0x20: {  	[tilespmem:s13], [sflag:$0x2] =	stream.indirect.gather [hbm4b:s3+s10], $0x40, s21, s10, $0xb8;
	[tilespmem:$0xEC00] =	vst v63  }
0x21: {  	s31 =	smul.u32 $0x680, s18;
	_ =	swait.ge [sflag:s14], $0x3200  }
0x22: {  	[sflag:s14] =	ssyncset.done $0x0  }
0x23: {  	s21 =	sshra.s32 s31, $0x2;
	[sflag:s14] =	ssyncadd.s32 $0xFFFFCE00  }
0x24: {  	v17 =	vld [tilespmem:s21+$0x0]  }
0x25: {  	v18 =	vld [tilespmem:s21+$0x10]  }
0x26: {  	v16 =	vld [tilespmem:s21+$0x20]  }
0x27: {  	v15 =	vld [tilespmem:s21+$0x30]  }
0x28: {  	v14 =	vld [tilespmem:s21+$0x40]  }
0x29: {  	v13 =	vld [tilespmem:s21+$0x50]  }
0x2a: {  	v12 =	vld [tilespmem:s21+$0x60]  }
0x2b: {  	v11 =	vld [tilespmem:s21+$0x70]  }
0x2c: {  	v10 =	vld [tilespmem:s21+$0x80]  }
0x2d: {  	v9 =	vld [tilespmem:s21+$0x90]  }
0x2e: {  	v8 =	vld [tilespmem:s21+$0xA0]  }
0x2f: {  	v7 =	vld [tilespmem:s21+$0xB0]  }
0x30: {  	s23 =	simm.s32 $0x6900;
	v5 =	vld [tilespmem:s21+$0xC0]  }
0x31: {  	v2 =	vld [tilespmem:s23+$0xC0]  }
0x32: {  	v3 =	vld [tilespmem:s23+$0xD0]  }
0x33: {  	v4 =	vld [tilespmem:s23+$0x80]  }
0x34: {  	v6 =	vld [tilespmem:s23+$0x90]  }
0x35: {  	v24 =	vld [tilespmem:s23+$0x40]  }
0x36: {  	v27 =	vld [tilespmem:s23+$0x50]  }
0x37: {  	v21 =	vld [tilespmem:s23+$0x0]  }
0x38: {  	v23 =	vld [tilespmem:s23+$0x10]  }
0x39: {  	v20 =	vld [tilespmem:s23+$0xFFFFFFC0]  }
0x3a: {  	v22 =	vld [tilespmem:s23+$0xFFFFFFD0]  }
0x3b: {  	v19 =	vld [tilespmem:s23+$0xFFFFFF80]  }
0x3c: {  	v25 =	vld [tilespmem:s23+$0xFFFFFF90]  }
0x3d: {  	v26 =	vld [tilespmem:s23+$0xFFFFFF40]  }
0x3e: {  	v28 =	vld [tilespmem:s23+$0xFFFFFF50]  }
0x3f: {  	v29 =	vld [tilespmem:s23+$0xFFFFFF00]  }
0x40: {  	v30 =	vld [tilespmem:s23+$0xFFFFFF10]  }
0x41: {  	v31 =	vld [tilespmem:s23+$0xFFFFFF20]  }
0x42: {  	v32 =	vld [tilespmem:s23+$0xFFFFFF30]  }
0x43: {  	v33 =	vld [tilespmem:s23+$0xFFFFFF60]  }
0x44: {  	v34 =	vld [tilespmem:s23+$0xFFFFFF70]  }
0x45: {  	v35 =	vimm.f32 $0.0e+00;
	v36 =	vld [tilespmem:s23+$0xFFFFFFA0]  }
0x46: {  	v37 =	vld [tilespmem:s23+$0xFFFFFFB0];
	v29 =	vadd.f32 v29, v35;
	v30 =	vadd.f32 v30, v35  }
0x47: {  	v61 =	vld [tilespmem:s23+$0xFFFFFFE0];
	v31 =	vadd.f32 v31, v35;
	v32 =	vadd.f32 v32, v35  }
0x48: {  	v26 =	vadd.f32 v26, v29;
	v28 =	vadd.f32 v28, v30;
	v29 =	vld [tilespmem:s23+$0xFFFFFFF0]  }
0x49: {  	v62 =	vld [tilespmem:s23+$0x20];
	v30 =	vadd.f32 v33, v31;
	v31 =	vadd.f32 v34, v32  }
0x4a: {  	v26 =	vadd.f32 v19, v26;
	v25 =	vadd.f32 v25, v28;
	v28 =	vld [tilespmem:s23+$0x30]  }
0x4b: {  	v30 =	vadd.f32 v36, v30;
	v31 =	vadd.f32 v37, v31;
	v19 =	vld [tilespmem:s23+$0x60]  }
0x4c: {  	v26 =	vadd.f32 v20, v26;
	v25 =	vadd.f32 v22, v25;
	v22 =	vld [tilespmem:s23+$0x70]  }
0x4d: {  	v30 =	vadd.f32 v61, v30;
	v20 =	vld [tilespmem:s23+$0xA0];
	v29 =	vadd.f32 v29, v31  }
0x4e: {  	v31 =	vadd.f32 v21, v26;
	v63 =	vadd.f32 v23, v25;
	v23 =	vld [tilespmem:s23+$0xB0]  }
0x4f: {  	v26 =	vadd.f32 v62, v30;
	v21 =	vld [tilespmem:s23+$0xE0];
	v25 =	vadd.f32 v28, v29  }
0x50: {  	s22 =	simm.s32 $0x0;
	v28 =	vadd.f32 v24, v31;
	v27 =	vadd.f32 v27, v63;
	v24 =	vld [tilespmem:s23+$0xF0];
	s23 =	simm.s32 $0x6B00  }
.LBB2_5:
0x51: {  	v29 =	vld [tilespmem:s23+$0xC0];
	v19 =	vadd.f32 v19, v26;
	v22 =	vadd.f32 v22, v25  }
0x52: {  	v25 =	vld [tilespmem:s23+$0xD0];
	v26 =	vadd.f32 v4, v28;
	v27 =	vadd.f32 v6, v27  }
0x53: {  	v4 =	vld [tilespmem:s23+$0x80];
	v19 =	vadd.f32 v20, v19;
	v20 =	vadd.f32 v23, v22  }
0x54: {  	v6 =	vld [tilespmem:s23+$0x90];
	v22 =	vadd.f32 v2, v26;
	v23 =	vadd.f32 v3, v27  }
0x55: {  	v27 =	vld [tilespmem:s23+$0x40];
	v19 =	vadd.f32 v21, v19;
	v20 =	vadd.f32 v24, v20  }
0x56: {  	v24 =	vld [tilespmem:s23+$0x50];
	v2 =	vmov v29  }
0x57: {  	v21 =	vld [tilespmem:s23+$0x0];
	v3 =	vmov v25  }
0x58: {  	v25 =	vld [tilespmem:s23+$0x10]  }
0x59: {  	v26 =	vld [tilespmem:s23+$0xFFFFFFC0]  }
0x5a: {  	v28 =	vld [tilespmem:s23+$0xFFFFFFD0]  }
0x5b: {  	v29 =	vld [tilespmem:s23+$0xFFFFFF80]  }
0x5c: {  	v30 =	vld [tilespmem:s23+$0xFFFFFF90]  }
0x5d: {  	v31 =	vld [tilespmem:s23+$0xFFFFFF40]  }
0x5e: {  	v32 =	vld [tilespmem:s23+$0xFFFFFF50]  }
0x5f: {  	v33 =	vld [tilespmem:s23+$0xFFFFFF00]  }
0x60: {  	v34 =	vld [tilespmem:s23+$0xFFFFFF10]  }
0x61: {  	v35 =	vld [tilespmem:s23+$0xFFFFFF20]  }
0x62: {  	s22 =	sadd.s32 $0x8, s22;
	v36 =	vld [tilespmem:s23+$0xFFFFFF30]  }
0x63: {  	p0 =	slt.u32 s22, $0xC0;
	v37 =	vld [tilespmem:s23+$0xFFFFFF60]  }
0x64: {  	v38 =	vld [tilespmem:s23+$0xFFFFFF70]  }
0x65: {  	v39 =	vld [tilespmem:s23+$0xFFFFFFA0]  }
0x66: {  	v22 =	vadd.f32 v33, v22;
	v23 =	vadd.f32 v34, v23;
	v33 =	vld [tilespmem:s23+$0xFFFFFFB0]  }
0x67: {  	v19 =	vadd.f32 v35, v19;
	v20 =	vadd.f32 v36, v20;
	v34 =	vld [tilespmem:s23+$0xFFFFFFE0]  }
0x68: {  	v22 =	vadd.f32 v31, v22;
	v23 =	vadd.f32 v32, v23;
	v31 =	vld [tilespmem:s23+$0xFFFFFFF0]  }
0x69: {  	v19 =	vadd.f32 v37, v19;
	v20 =	vadd.f32 v38, v20;
	v32 =	vld [tilespmem:s23+$0x20]  }
0x6a: {  	v22 =	vadd.f32 v29, v22;
	v23 =	vadd.f32 v30, v23;
	v29 =	vld [tilespmem:s23+$0x30]  }
0x6b: {  	v30 =	vadd.f32 v39, v19;
	v20 =	vadd.f32 v33, v20;
	v19 =	vld [tilespmem:s23+$0x60]  }
.Ltmp1:
0x6c: {  	v26 =	vadd.f32 v26, v22;
	v23 =	vadd.f32 v28, v23;
	v22 =	vld [tilespmem:s23+$0x70];
	(pc) =	sbr.rel @p0 .LBB2_5-.Ltmp1, $4  }
0x6d: {  	v28 =	vadd.f32 v34, v30;
	v30 =	vadd.f32 v31, v20;
	v20 =	vld [tilespmem:s23+$0xA0]  }
0x6e: {  	v31 =	vadd.f32 v21, v26;
	v33 =	vadd.f32 v25, v23;
	v23 =	vld [tilespmem:s23+$0xB0]  }
0x6f: {  	v26 =	vadd.f32 v32, v28;
	v25 =	vadd.f32 v29, v30;
	v21 =	vld [tilespmem:s23+$0xE0]  }
0x70: {  	v28 =	vadd.f32 v27, v31;
	v27 =	vadd.f32 v24, v33;
	v24 =	vld [tilespmem:s23+$0xF0];
	s23 =	sadd.s32 $0x200, s23  }
0x71: {  	vm0 =	veq.s32 v17, $0x0;
	vm1 =	veq.s32 v18, $0x0  }
0x72: {  	v17 =	vsel vm0, $0x0, v0;
	v18 =	vsel vm1, $0x0, v0  }
0x73: {  	vm5 =	veq.s32 v16, $0x0;
	v17 =	vadd.f32 v18, v17  }
0x74: {  	v16 =	vsel vm5, $0x0, v0  }
0x75: {  	vm6 =	veq.s32 v15, $0x0;
	v16 =	vadd.f32 v16, v17  }
0x76: {  	v15 =	vsel vm6, $0x0, v0  }
0x77: {  	vm7 =	veq.s32 v14, $0x0;
	v15 =	vadd.f32 v15, v16  }
0x78: {  	v14 =	vsel vm7, $0x0, v0  }
0x79: {  	vm8 =	veq.s32 v13, $0x0;
	v14 =	vadd.f32 v14, v15  }
0x7a: {  	v13 =	vsel vm8, $0x0, v0  }
0x7b: {  	vm9 =	veq.s32 v12, $0x0;
	v13 =	vadd.f32 v13, v14  }
0x7c: {  	v12 =	vsel vm9, $0x0, v0  }
0x7d: {  	vm10 =	veq.s32 v11, $0x0;
	v12 =	vadd.f32 v12, v13  }
0x7e: {  	v11 =	vsel vm10, $0x0, v0  }
0x7f: {  	vm11 =	veq.s32 v10, $0x0;
	v11 =	vadd.f32 v11, v12  }
0x80: {  	v10 =	vsel vm11, $0x0, v0  }
0x81: {  	vm12 =	veq.s32 v9, $0x0;
	v10 =	vadd.f32 v10, v11  }
0x82: {  	v9 =	vsel vm12, $0x0, v0  }
0x83: {  	vm13 =	veq.s32 v8, $0x0;
	v9 =	vadd.f32 v9, v10  }
0x84: {  	v8 =	vsel vm13, $0x0, v0  }
0x85: {  	vm14 =	veq.s32 v7, $0x0;
	v8 =	vadd.f32 v8, v9  }
0x86: {  	v7 =	vsel vm14, $0x0, v0  }
0x87: {  	vm15 =	veq.s32 v5, $0x0;
	v7 =	vadd.f32 v7, v8  }
0x88: {  	v5 =	vsel vm15, $0x0, v1  }
0x89: {  	v5 =	vadd.f32 v5, v7;
	_ =	sdelay $0x1  }
0x8a: {  	(xrf2) =	vadd.scan.msk.f32 $0xffff, v5;
	_ =	sdelay $0x9  }
0x8b: {  	v5, _, _ =	vpop (xrf2)  }
0x8c: {  	v5 =	vbroadcast v5, $0xF;
	_ =	sdelay $0x1  }
0x8d: {  	(erf) = vrcp.f32 v5;
	_ =	sdelay $0x4  }
0x8e: {  	v6 =	vadd.f32 v6, v27  }
0x8f: {  	v4 =	vadd.f32 v4, v28;
	v5 =	vadd.f32 v19, v26  }
0x90: {  	v7 =	vadd.f32 v22, v25  }
0x91: {  	v2 =	vadd.f32 v2, v4;
	v5 =	vadd.f32 v20, v5  }
0x92: {  	v3 =	vadd.f32 v3, v6;
	v4 =	vadd.f32 v23, v7;
	v6 =	vpop (erf)  }
0x93: {  	s22 =	sshll.u32 s18, $0x7;
	v5 =	vadd.f32 v21, v5;
	v2 =	vmul.f32 v2, v6  }
0x94: {  	s22 =	sand.u32 $0x3FFFFF80, s22;
	v4 =	vadd.f32 v24, v4;
	v3 =	vmul.f32 v3, v6  }
0x95: {  	[tilespmem:s22+$0xCC00] =	vst v2;
	v2 =	vmul.f32 v5, v6  }
0x96: {  	[tilespmem:s22+$0xCC10] =	vst v3;
	v3 =	vmul.f32 v4, v6  }
0x97: {  	p0 =	seq.s32 s18, $0x3F;
	[tilespmem:s22+$0xCC20] =	vst v2  }
0x98: {  	s23 =	simm.s32 @!p0 $0x80;
	s24 =	simm.s32 @!p0 $0x6800;
	[tilespmem:s22+$0xCC30] =	vst v3;
	s22 =	sadd.s32 @!p0 $0x1A0, s21  }
0x99: {  	[tilespmem:s24], [sflag:$0x1] =	stream.indirect.gather @!p0 [hbm4b:s3+s23], $0x40, s22, s23, $0xb8;
	[tilespmem:$0xEC00] =	vst v63  }
0x9a: {  	s21 =	sadd.s32 @!p0 $0x220, s21;
	s22 =	simm.s32 @!p0 $0x48;
	s23 =	simm.s32 @!p0 $0x8800  }
0x9b: {  	[tilespmem:s23], [sflag:$0x1] =	stream.indirect.gather @!p0 [hbm4b:s3+s22], $0x40, s21, s22, $0xb8;
	[tilespmem:$0xEC00] =	vst v63  }
0x9c: {  	_ =	swait.ge [sflag:s15], $0x3200  }
0x9d: {  	[sflag:s15] =	ssyncset.done $0x0  }
0x9e: {  	[sflag:s15] =	ssyncadd.s32 $0xFFFFCE00  }
0x9f: {  	v17 =	vld [tilespmem:s20+$0x0]  }
0xa0: {  	v18 =	vld [tilespmem:s20+$0x10]  }
0xa1: {  	v16 =	vld [tilespmem:s20+$0x20]  }
0xa2: {  	v15 =	vld [tilespmem:s20+$0x30]  }
0xa3: {  	v14 =	vld [tilespmem:s20+$0x40]  }
0xa4: {  	v13 =	vld [tilespmem:s20+$0x50]  }
0xa5: {  	v12 =	vld [tilespmem:s20+$0x60]  }
0xa6: {  	v11 =	vld [tilespmem:s20+$0x70]  }
0xa7: {  	v10 =	vld [tilespmem:s20+$0x80]  }
0xa8: {  	v9 =	vld [tilespmem:s20+$0x90]  }
0xa9: {  	v8 =	vld [tilespmem:s20+$0xA0]  }
0xaa: {  	v7 =	vld [tilespmem:s20+$0xB0]  }
0xab: {  	s31 =	simm.s32 $0x9B00;
	v5 =	vld [tilespmem:s20+$0xC0]  }
0xac: {  	v2 =	vld [tilespmem:s31+$0xC0]  }
0xad: {  	v3 =	vld [tilespmem:s31+$0xD0]  }
0xae: {  	v4 =	vld [tilespmem:s31+$0x80]  }
0xaf: {  	v6 =	vld [tilespmem:s31+$0x90]  }
0xb0: {  	v24 =	vld [tilespmem:s31+$0x40]  }
0xb1: {  	v27 =	vld [tilespmem:s31+$0x50]  }
0xb2: {  	v21 =	vld [tilespmem:s31+$0x0]  }
0xb3: {  	v23 =	vld [tilespmem:s31+$0x10]  }
0xb4: {  	v20 =	vld [tilespmem:s31+$0xFFFFFFC0]  }
0xb5: {  	v22 =	vld [tilespmem:s31+$0xFFFFFFD0]  }
0xb6: {  	v19 =	vld [tilespmem:s31+$0xFFFFFF80]  }
0xb7: {  	v25 =	vld [tilespmem:s31+$0xFFFFFF90]  }
0xb8: {  	v26 =	vld [tilespmem:s31+$0xFFFFFF40]  }
0xb9: {  	v28 =	vld [tilespmem:s31+$0xFFFFFF50]  }
0xba: {  	v29 =	vld [tilespmem:s31+$0xFFFFFF00]  }
0xbb: {  	v30 =	vld [tilespmem:s31+$0xFFFFFF10]  }
0xbc: {  	v31 =	vld [tilespmem:s31+$0xFFFFFF20]  }
0xbd: {  	v32 =	vld [tilespmem:s31+$0xFFFFFF30]  }
0xbe: {  	v33 =	vld [tilespmem:s31+$0xFFFFFF60]  }
0xbf: {  	v34 =	vld [tilespmem:s31+$0xFFFFFF70]  }
0xc0: {  	v35 =	vimm.f32 $0.0e+00;
	v36 =	vld [tilespmem:s31+$0xFFFFFFA0]  }
0xc1: {  	v37 =	vld [tilespmem:s31+$0xFFFFFFB0];
	v29 =	vadd.f32 v29, v35;
	v30 =	vadd.f32 v30, v35  }
0xc2: {  	v61 =	vld [tilespmem:s31+$0xFFFFFFE0];
	v31 =	vadd.f32 v31, v35;
	v32 =	vadd.f32 v32, v35  }
0xc3: {  	v26 =	vadd.f32 v26, v29;
	v28 =	vadd.f32 v28, v30;
	v29 =	vld [tilespmem:s31+$0xFFFFFFF0]  }
0xc4: {  	v62 =	vld [tilespmem:s31+$0x20];
	v30 =	vadd.f32 v33, v31;
	v31 =	vadd.f32 v34, v32  }
0xc5: {  	v26 =	vadd.f32 v19, v26;
	v25 =	vadd.f32 v25, v28;
	v28 =	vld [tilespmem:s31+$0x30]  }
0xc6: {  	v30 =	vadd.f32 v36, v30;
	v31 =	vadd.f32 v37, v31;
	v19 =	vld [tilespmem:s31+$0x60]  }
0xc7: {  	v26 =	vadd.f32 v20, v26;
	v25 =	vadd.f32 v22, v25;
	v22 =	vld [tilespmem:s31+$0x70]  }
0xc8: {  	v30 =	vadd.f32 v61, v30;
	v20 =	vld [tilespmem:s31+$0xA0];
	v29 =	vadd.f32 v29, v31  }
0xc9: {  	v31 =	vadd.f32 v21, v26;
	v63 =	vadd.f32 v23, v25;
	v23 =	vld [tilespmem:s31+$0xB0]  }
0xca: {  	v26 =	vadd.f32 v62, v30;
	v21 =	vld [tilespmem:s31+$0xE0];
	v25 =	vadd.f32 v28, v29  }
0xcb: {  	s21 =	simm.s32 $0x9D00;
	s20 =	simm.s32 $0x0;
	v28 =	vadd.f32 v24, v31;
	v27 =	vadd.f32 v27, v63;
	v24 =	vld [tilespmem:s31+$0xF0]  }
.LBB2_7:
0xcc: {  	v29 =	vld [tilespmem:s21+$0xC0];
	v19 =	vadd.f32 v19, v26;
	v22 =	vadd.f32 v22, v25  }
0xcd: {  	v25 =	vld [tilespmem:s21+$0xD0];
	v26 =	vadd.f32 v4, v28;
	v27 =	vadd.f32 v6, v27  }
0xce: {  	v4 =	vld [tilespmem:s21+$0x80];
	v19 =	vadd.f32 v20, v19;
	v20 =	vadd.f32 v23, v22  }
0xcf: {  	v6 =	vld [tilespmem:s21+$0x90];
	v22 =	vadd.f32 v2, v26;
	v23 =	vadd.f32 v3, v27  }
0xd0: {  	v27 =	vld [tilespmem:s21+$0x40];
	v19 =	vadd.f32 v21, v19;
	v20 =	vadd.f32 v24, v20  }
0xd1: {  	v24 =	vld [tilespmem:s21+$0x50];
	v2 =	vmov v29  }
0xd2: {  	v21 =	vld [tilespmem:s21+$0x0];
	v3 =	vmov v25  }
0xd3: {  	v25 =	vld [tilespmem:s21+$0x10]  }
0xd4: {  	v26 =	vld [tilespmem:s21+$0xFFFFFFC0]  }
0xd5: {  	v28 =	vld [tilespmem:s21+$0xFFFFFFD0]  }
0xd6: {  	v29 =	vld [tilespmem:s21+$0xFFFFFF80]  }
0xd7: {  	v30 =	vld [tilespmem:s21+$0xFFFFFF90]  }
0xd8: {  	v31 =	vld [tilespmem:s21+$0xFFFFFF40]  }
0xd9: {  	v32 =	vld [tilespmem:s21+$0xFFFFFF50]  }
0xda: {  	v33 =	vld [tilespmem:s21+$0xFFFFFF00]  }
0xdb: {  	v34 =	vld [tilespmem:s21+$0xFFFFFF10]  }
0xdc: {  	v35 =	vld [tilespmem:s21+$0xFFFFFF20]  }
0xdd: {  	s20 =	sadd.s32 $0x8, s20;
	v36 =	vld [tilespmem:s21+$0xFFFFFF30]  }
0xde: {  	p0 =	slt.u32 s20, $0xC0;
	v37 =	vld [tilespmem:s21+$0xFFFFFF60]  }
0xdf: {  	v38 =	vld [tilespmem:s21+$0xFFFFFF70]  }
0xe0: {  	v39 =	vld [tilespmem:s21+$0xFFFFFFA0]  }
0xe1: {  	v22 =	vadd.f32 v33, v22;
	v23 =	vadd.f32 v34, v23;
	v33 =	vld [tilespmem:s21+$0xFFFFFFB0]  }
0xe2: {  	v19 =	vadd.f32 v35, v19;
	v20 =	vadd.f32 v36, v20;
	v34 =	vld [tilespmem:s21+$0xFFFFFFE0]  }
0xe3: {  	v22 =	vadd.f32 v31, v22;
	v23 =	vadd.f32 v32, v23;
	v31 =	vld [tilespmem:s21+$0xFFFFFFF0]  }
0xe4: {  	v19 =	vadd.f32 v37, v19;
	v20 =	vadd.f32 v38, v20;
	v32 =	vld [tilespmem:s21+$0x20]  }
0xe5: {  	v22 =	vadd.f32 v29, v22;
	v23 =	vadd.f32 v30, v23;
	v29 =	vld [tilespmem:s21+$0x30]  }
0xe6: {  	v30 =	vadd.f32 v39, v19;
	v20 =	vadd.f32 v33, v20;
	v19 =	vld [tilespmem:s21+$0x60]  }
.Ltmp2:
0xe7: {  	v26 =	vadd.f32 v26, v22;
	v23 =	vadd.f32 v28, v23;
	v22 =	vld [tilespmem:s21+$0x70];
	(pc) =	sbr.rel @p0 .LBB2_7-.Ltmp2, $4  }
0xe8: {  	v28 =	vadd.f32 v34, v30;
	v30 =	vadd.f32 v31, v20;
	v20 =	vld [tilespmem:s21+$0xA0]  }
0xe9: {  	v31 =	vadd.f32 v21, v26;
	v33 =	vadd.f32 v25, v23;
	v23 =	vld [tilespmem:s21+$0xB0]  }
0xea: {  	v26 =	vadd.f32 v32, v28;
	v25 =	vadd.f32 v29, v30;
	v21 =	vld [tilespmem:s21+$0xE0]  }
0xeb: {  	v28 =	vadd.f32 v27, v31;
	v27 =	vadd.f32 v24, v33;
	v24 =	vld [tilespmem:s21+$0xF0];
	s21 =	sadd.s32 $0x200, s21  }
0xec: {  	vm0 =	veq.s32 v17, $0x0;
	vm1 =	veq.s32 v18, $0x0  }
0xed: {  	v17 =	vsel vm0, $0x0, v0;
	v18 =	vsel vm1, $0x0, v0  }
0xee: {  	vm5 =	veq.s32 v16, $0x0;
	v17 =	vadd.f32 v18, v17  }
0xef: {  	v16 =	vsel vm5, $0x0, v0  }
0xf0: {  	vm6 =	veq.s32 v15, $0x0;
	v16 =	vadd.f32 v16, v17  }
0xf1: {  	v15 =	vsel vm6, $0x0, v0  }
0xf2: {  	vm7 =	veq.s32 v14, $0x0;
	v15 =	vadd.f32 v15, v16  }
0xf3: {  	v14 =	vsel vm7, $0x0, v0  }
0xf4: {  	vm8 =	veq.s32 v13, $0x0;
	v14 =	vadd.f32 v14, v15  }
0xf5: {  	v13 =	vsel vm8, $0x0, v0  }
0xf6: {  	vm9 =	veq.s32 v12, $0x0;
	v13 =	vadd.f32 v13, v14  }
0xf7: {  	v12 =	vsel vm9, $0x0, v0  }
0xf8: {  	vm10 =	veq.s32 v11, $0x0;
	v12 =	vadd.f32 v12, v13  }
0xf9: {  	v11 =	vsel vm10, $0x0, v0  }
0xfa: {  	vm11 =	veq.s32 v10, $0x0;
	v11 =	vadd.f32 v11, v12  }
0xfb: {  	v10 =	vsel vm11, $0x0, v0  }
0xfc: {  	vm12 =	veq.s32 v9, $0x0;
	v10 =	vadd.f32 v10, v11  }
0xfd: {  	v9 =	vsel vm12, $0x0, v0  }
0xfe: {  	vm13 =	veq.s32 v8, $0x0;
	v9 =	vadd.f32 v9, v10  }
0xff: {  	v8 =	vsel vm13, $0x0, v0  }
0x100: {  	vm14 =	veq.s32 v7, $0x0;
	v8 =	vadd.f32 v8, v9  }
0x101: {  	v7 =	vsel vm14, $0x0, v0  }
0x102: {  	vm15 =	veq.s32 v5, $0x0;
	v7 =	vadd.f32 v7, v8  }
0x103: {  	v5 =	vsel vm15, $0x0, v1  }
0x104: {  	v5 =	vadd.f32 v5, v7;
	_ =	sdelay $0x1  }
0x105: {  	(xrf2) =	vadd.scan.msk.f32 $0xffff, v5;
	_ =	sdelay $0x9  }
0x106: {  	v5, _, _ =	vpop (xrf2)  }
0x107: {  	v5 =	vbroadcast v5, $0xF;
	_ =	sdelay $0x1  }
0x108: {  	(erf) = vrcp.f32 v5;
	_ =	sdelay $0x5  }
0x109: {  	v60 =	vadd.f32 v19, v26;
	v4 =	vadd.f32 v4, v28  }
0x10a: {  	v61 =	vadd.f32 v22, v25;
	v6 =	vadd.f32 v6, v27  }
0x10b: {  	v2 =	vadd.f32 v2, v4;
	v5 =	vadd.f32 v20, v60  }
0x10c: {  	s18 =	sadd.s32 $0x1, s18;
	v62 =	vadd.f32 v23, v61;
	v3 =	vadd.f32 v3, v6;
	v63 =	vpop (erf)  }
0x10d: {  	s19 =	sshll.u32 s19, $0x6;
	p0 =	sne.s32 s18, $0x40;
	v5 =	vadd.f32 v21, v5;
	v2 =	vmul.f32 v2, v63  }
.Ltmp3:
0x10e: {  	s19 =	sand.u32 $0x3FFFFFC0, s19;
	v4 =	vadd.f32 v24, v62;
	v3 =	vmul.f32 v3, v63;
	(pc) =	sbr.rel @p0 .LBB2_4-.Ltmp3, $4  }
0x10f: {  	[tilespmem:s19+$0xCC00] =	vst v2;
	v2 =	vmul.f32 v5, v63  }
0x110: {  	[tilespmem:s19+$0xCC10] =	vst v3;
	v3 =	vmul.f32 v4, v63  }
0x111: {  	[tilespmem:s19+$0xCC20] =	vst v2  }
0x112: {  	[tilespmem:s19+$0xCC30] =	vst v3  }
0x113: {  	s17 =	sadd.s32 $0x1, s17  }
0x114: {  	p0 =	sne.s32 s17, s6  }
.Ltmp4:
0x115: {  	_ = 	snop;
	(pc) =	sbr.rel @p0 .LBB2_1-.Ltmp4, $4  }
0x116: {  	[hbm4b:s5+s2] =	stream.linear.scatter [tilespmem:s16], [sflag:$0x3], $0x2000, $0x38;
	[tilespmem:$0xEC00] =	vst v63  }
0x117: {  	_ =	swait.ge [sflag:s7], $0x2000  }
0x118: {  	[sflag:s7] =	ssyncset.done $0x0  }
0x119: {  	[sflag:s7] =	ssyncadd.s32 $0xFFFFE000  }
0x11a: {  	_ =	sfence.sel $0x180000  }
0x11b: {  	[bflag:$0x0] =	sbarrier.arrive $0xFFFF  }
0x11c: {  	p0 =	sne.s32 s0, $0x0;
	_ =	strace $0x90000047  }
0x11d: {  	s0 =	sadd.s32 @!p0 $0x100000, s1;
	[bflag:$0x2] =	sbarrier.arrive $0xFFFF  }
0x11e: {  	[sflag:s0] =	ssyncadd.tile.s32 @!p0 $0x1;
	_ =	shalt  }
.Lfunc_end2:
_tile_overlayer_lowered:
.L_overlay_start_2:
0x11f: {  	(tag) =	ssettag $0x2  }
0x120: {  	s0 =	rddreg [dreg:$0x0];
	s2 =	stileid.u32  }
0x121: {  	s1 =	rddreg [dreg:$0x1];
	p0 =	sne.s32 s2, $0x0  }
0x122: {  	s3 =	rddreg [dreg:$0x2];
	[bflag:$0x3] =	sbarrier.arrive $0xFFFF;
	s2 =	simm.s32 @!p0 $0x1C03  }
0x123: {  	[timem:s3], [sflag:s2] =	dma.local @!p0 [hbm:s0], s1  }
0x124: {  	s0 =	simm.s32 @!p0 $0x3  }
0x125: {  	_ =	swait.ge @!p0 [sflag:s0], s1  }
0x126: {  	s1 =	ssub.s32 @!p0 $0x0, s1;
	[sflag:s0] =	ssyncset.done @!p0 $0x0  }
0x127: {  	[sflag:s0] =	ssyncadd.s32 @!p0 s1  }
0x128: {  	[bflag:$0x3] =	sbarrier.arrive $0xFFFF  }
0x129: {  	_ =	shalt  }

</sc_bundles>
